<compile_context>
chip_gen: v7x
topology: tpu7x:2x2x1
jax: 0.10.2.dev20260603
libtpu: 0.0.44.dev20260713+nightly
codegen_flags: <defaults>
</compile_context>

<pallas_src>
import functools

import jax
import jax.numpy as jnp
from jax import lax
from jax.experimental import pallas as pl
from jax.experimental.pallas import tpu as pltpu
from jax.experimental.pallas import tpu_sc as plsc

D = 128
BATCH = 4096
SEQ = 200
B = BATCH * SEQ
NROWS = 10001

NC = 2
NS = 16
NW = NC * NS
BPW = B // NW
CH = 32
NCHUNK = BPW // CH
NB = 8
LOOK = 3
NIB = NB
ILOOK = NIB

_mesh = plsc.VectorSubcoreMesh(core_axis_name="c", subcore_axis_name="s")


@functools.partial(
    pl.kernel,
    mesh=_mesh,
    out_type=jax.ShapeDtypeStruct((B, D), jnp.float32),
    scratch_types=(
        [pltpu.VMEM_SHARED((NROWS, D), jnp.float32)]
        + [pltpu.VMEM((CH, D), jnp.float32) for _ in range(NB)]
        + [pltpu.VMEM((CH,), jnp.int32) for _ in range(NIB)]
        + [pltpu.SemaphoreType.DMA for _ in range(2 * NB + NIB)]
    ),
)
def _gather_kernel(table_hbm, idx_hbm, out_hbm, table_sp, *scratch):
    rows = scratch[:NB]
    ibuf = scratch[NB:NB + NIB]
    gsem = scratch[NB + NIB:2 * NB + NIB]
    ssem = scratch[2 * NB + NIB:3 * NB + NIB]
    isem = scratch[3 * NB + NIB:]

    sid = lax.axis_index("s")
    wid = sid * NC + lax.axis_index("c")
    base = wid * BPW

    @pl.when(sid == 0)
    def _():
        pltpu.sync_copy(table_hbm, table_sp)

    def issue_idx(j, b):
        pltpu.async_copy(idx_hbm.at[pl.ds(base + j * CH, CH)], ibuf[b], isem[b])

    def drain_idx(b):
        pltpu.make_async_copy(idx_hbm.at[pl.ds(0, CH)], ibuf[b], isem[b]).wait()

    def issue_gather(b):
        pltpu.async_copy(table_sp.at[ibuf[b]], rows[b], gsem[b])

    def drain_gather(b):
        pltpu.make_async_copy(out_hbm.at[pl.ds(0, CH)], rows[b], gsem[b]).wait()

    def issue_scatter(j, b):
        pltpu.async_copy(rows[b], out_hbm.at[pl.ds(base + j * CH, CH)], ssem[b])

    def drain_scatter(b):
        pltpu.make_async_copy(
            rows[b], out_hbm.at[pl.ds(0, CH)], ssem[b]).wait()

    for j in range(ILOOK):
        issue_idx(j, j % NIB)
    plsc.subcore_barrier()
    for j in range(LOOK):
        drain_idx(j % NIB)
        issue_gather(j % NB)

    def body(g, carry):
        for b in range(NB):
            j = g * NB + b
            drain_gather(b)
            issue_scatter(j, b)

            @pl.when(j + ILOOK < NCHUNK)
            def _():
                issue_idx(j + ILOOK, b)

            jj = j + LOOK
            b2 = (b + LOOK) % NB

            @pl.when(jj >= NB)
            def _():
                drain_scatter(b2)

            @pl.when(jj < NCHUNK)
            def _():
                drain_idx((b + LOOK) % NIB)
                issue_gather(b2)
        return carry

    lax.fori_loop(0, NCHUNK // NB, body, 0)

    for b in range(LOOK, NB):
        drain_scatter(b)


def kernel(sin_table, temp_idx):
    idx = temp_idx.astype(jnp.int32).reshape(B)
    out = _gather_kernel(sin_table, idx)
    return out.reshape(BATCH, SEQ, D)

# --- scband reference (transcript-rebuilt; emitter-appended) ---
"""Pipeline reference for scband-temporal-positional-encoding-11433202942227 (READ-ONLY COPY).

The authoritative reference and input builder live on the scoring server;
editing this copy changes nothing except your own understanding.
"""

import jax, jax.numpy as jnp
import numpy as np
import math

D_MODEL = 128
MAX_LEN = 10000
T_VAL = 10000.0
SCALE = 2.0 * math.pi
BATCH = 4096
SEQ_LEN = 200


def _get_positional_encoding(d_model, max_len, T, scale):
    pe = np.zeros((max_len, d_model), dtype=np.float32)
    position = np.arange(0, max_len, dtype=np.float32)[:, None]
    div_term = np.exp(np.arange(0, d_model, 2, dtype=np.float32) * (-math.log(T) / d_model))
    pe[:, 0::2] = np.sin(position * div_term * scale)
    pe[:, 1::2] = np.cos(position * div_term * scale)
    pe = np.concatenate([np.zeros((1, d_model), dtype=np.float32), pe], axis=0)
    return jnp.asarray(pe)


def setup_inputs(seed: int = 0) -> dict:
    key = jax.random.key(seed)
    k1, _ = jax.random.split(key)
    temp_idx = jax.random.randint(k1, (BATCH, SEQ_LEN), 0, MAX_LEN)
    sin_table = _get_positional_encoding(D_MODEL, MAX_LEN, T_VAL, SCALE)
    return {"sin_table": sin_table, "temp_idx": temp_idx}


def reference(sin_table, temp_idx):
    # pos_enc_type == 'default': pos_encodings = self.sin_table(pos)
    pos = temp_idx.astype(jnp.int32)
    pos_encodings = jnp.take(sin_table, pos, axis=0)
    return pos_encodings

if __name__ == "__main__":
    import jax
    _d = setup_inputs()
    print(jax.jit(kernel)(*tuple(_d.values())))

</pallas_src>

<mosaic_0001>
#map = affine_map<(d0, d1) -> (0, 0)>
#map1 = affine_map<(d0, d1) -> (0)>
module attributes {stable_mosaic.version = 14 : i64} {
  func.func @_gather_kernel(%arg0: i32, %arg1: i32, %arg2: memref<10001x128xf32, #tpu.memory_space<hbm>>, %arg3: memref<819200xi32, #tpu.memory_space<hbm>>, %arg4: memref<819200x128xf32, #tpu.memory_space<hbm>>, %arg5: memref<10001x128xf32, #tpu.memory_space<vmem_shared>>, %arg6: memref<32x128xf32, #tpu.memory_space<vmem>>, %arg7: memref<32x128xf32, #tpu.memory_space<vmem>>, %arg8: memref<32x128xf32, #tpu.memory_space<vmem>>, %arg9: memref<32x128xf32, #tpu.memory_space<vmem>>, %arg10: memref<32x128xf32, #tpu.memory_space<vmem>>, %arg11: memref<32x128xf32, #tpu.memory_space<vmem>>, %arg12: memref<32x128xf32, #tpu.memory_space<vmem>>, %arg13: memref<32x128xf32, #tpu.memory_space<vmem>>, %arg14: memref<32xi32, #tpu.memory_space<vmem>>, %arg15: memref<32xi32, #tpu.memory_space<vmem>>, %arg16: memref<32xi32, #tpu.memory_space<vmem>>, %arg17: memref<32xi32, #tpu.memory_space<vmem>>, %arg18: memref<32xi32, #tpu.memory_space<vmem>>, %arg19: memref<32xi32, #tpu.memory_space<vmem>>, %arg20: memref<32xi32, #tpu.memory_space<vmem>>, %arg21: memref<32xi32, #tpu.memory_space<vmem>>, %arg22: memref<!tpu.dma_semaphore, #tpu.memory_space<semaphore_mem>>, %arg23: memref<!tpu.dma_semaphore, #tpu.memory_space<semaphore_mem>>, %arg24: memref<!tpu.dma_semaphore, #tpu.memory_space<semaphore_mem>>, %arg25: memref<!tpu.dma_semaphore, #tpu.memory_space<semaphore_mem>>, %arg26: memref<!tpu.dma_semaphore, #tpu.memory_space<semaphore_mem>>, %arg27: memref<!tpu.dma_semaphore, #tpu.memory_space<semaphore_mem>>, %arg28: memref<!tpu.dma_semaphore, #tpu.memory_space<semaphore_mem>>, %arg29: memref<!tpu.dma_semaphore, #tpu.memory_space<semaphore_mem>>, %arg30: memref<!tpu.dma_semaphore, #tpu.memory_space<semaphore_mem>>, %arg31: memref<!tpu.dma_semaphore, #tpu.memory_space<semaphore_mem>>, %arg32: memref<!tpu.dma_semaphore, #tpu.memory_space<semaphore_mem>>, %arg33: memref<!tpu.dma_semaphore, #tpu.memory_space<semaphore_mem>>, %arg34: memref<!tpu.dma_semaphore, #tpu.memory_space<semaphore_mem>>, %arg35: memref<!tpu.dma_semaphore, #tpu.memory_space<semaphore_mem>>, %arg36: memref<!tpu.dma_semaphore, #tpu.memory_space<semaphore_mem>>, %arg37: memref<!tpu.dma_semaphore, #tpu.memory_space<semaphore_mem>>, %arg38: memref<!tpu.dma_semaphore, #tpu.memory_space<semaphore_mem>>, %arg39: memref<!tpu.dma_semaphore, #tpu.memory_space<semaphore_mem>>, %arg40: memref<!tpu.dma_semaphore, #tpu.memory_space<semaphore_mem>>, %arg41: memref<!tpu.dma_semaphore, #tpu.memory_space<semaphore_mem>>, %arg42: memref<!tpu.dma_semaphore, #tpu.memory_space<semaphore_mem>>, %arg43: memref<!tpu.dma_semaphore, #tpu.memory_space<semaphore_mem>>, %arg44: memref<!tpu.dma_semaphore, #tpu.memory_space<semaphore_mem>>, %arg45: memref<!tpu.dma_semaphore, #tpu.memory_space<semaphore_mem>>) attributes {dimension_semantics = [#tpu.dimension_semantics<core_parallel>, #tpu.dimension_semantics<subcore_parallel>], iteration_bounds = array<i64: 2, 16>, scalar_prefetch = 0 : i64, scratch_operands = 41 : i64, tpu.core_type = #tpu.core_type<sc_vector_subcore>, window_params = [{transform_indices = #map}, {transform_indices = #map1}, {transform_indices = #map}]} {
    %mul3A = arith.constant 2 : i32
    %mul3A_0 = arith.muli %arg1, %mul3A : i32
    %add3A = arith.addi %mul3A_0, %arg0 : i32
    %mul3A_1 = arith.constant 25600 : i32
    %mul3A_2 = arith.muli %add3A, %mul3A_1 : i32
    %eq3A = arith.constant 0 : i32
    %eq3A_3 = arith.cmpi eq, %arg1, %eq3A : i32
    %convert_element_type3A = arith.extui %eq3A_3 : i1 to i32
    %cond3A = arith.constant 0 : i32
    %cond3A_4 = arith.cmpi ne, %convert_element_type3A, %cond3A : i32
    scf.if %cond3A_4 {
      "tpu.region"() ({
        %run_scoped3A = tpu.sem_alloc : memref<!tpu.dma_semaphore, #tpu.memory_space<semaphore_mem>>
        tpu.enqueue_dma source(%arg2 : memref<10001x128xf32, #tpu.memory_space<hbm>>) target(%arg5 : memref<10001x128xf32, #tpu.memory_space<vmem_shared>>) target_semaphore(%run_scoped3A : memref<!tpu.dma_semaphore, #tpu.memory_space<semaphore_mem>>)
        tpu.wait_dma2 semaphore(%run_scoped3A : memref<!tpu.dma_semaphore, #tpu.memory_space<semaphore_mem>>) src(%arg2 : memref<10001x128xf32, #tpu.memory_space<hbm>>) dst(%arg5 : memref<10001x128xf32, #tpu.memory_space<vmem_shared>>)
        tpu.yield
      }) : () -> ()
    } else {
    }
    %add3A_5 = arith.constant 0 : i32
    %add3A_6 = arith.addi %mul3A_2, %add3A_5 : i32
    %dma_start3A = tpu.memref_slice %arg3[%add3A_6] : memref<819200xi32, #tpu.memory_space<hbm>> -> memref<32xi32, #tpu.memory_space<hbm>>
    %dma_start3A_7 = tpu.memref_slice %arg3[%add3A_6] : memref<819200xi32, #tpu.memory_space<hbm>> -> memref<32xi32, #tpu.memory_space<hbm>>
    tpu.enqueue_dma source(%dma_start3A_7 : memref<32xi32, #tpu.memory_space<hbm>>) target(%arg14 : memref<32xi32, #tpu.memory_space<vmem>>) target_semaphore(%arg38 : memref<!tpu.dma_semaphore, #tpu.memory_space<semaphore_mem>>)
    %add3A_8 = arith.constant 32 : i32
    %add3A_9 = arith.addi %mul3A_2, %add3A_8 : i32
    %dma_start3A_10 = tpu.memref_slice %arg3[%add3A_9] : memref<819200xi32, #tpu.memory_space<hbm>> -> memref<32xi32, #tpu.memory_space<hbm>>
    %dma_start3A_11 = tpu.memref_slice %arg3[%add3A_9] : memref<819200xi32, #tpu.memory_space<hbm>> -> memref<32xi32, #tpu.memory_space<hbm>>
    tpu.enqueue_dma source(%dma_start3A_11 : memref<32xi32, #tpu.memory_space<hbm>>) target(%arg15 : memref<32xi32, #tpu.memory_space<vmem>>) target_semaphore(%arg39 : memref<!tpu.dma_semaphore, #tpu.memory_space<semaphore_mem>>)
    %add3A_12 = arith.constant 64 : i32
    %add3A_13 = arith.addi %mul3A_2, %add3A_12 : i32
    %dma_start3A_14 = tpu.memref_slice %arg3[%add3A_13] : memref<819200xi32, #tpu.memory_space<hbm>> -> memref<32xi32, #tpu.memory_space<hbm>>
    %dma_start3A_15 = tpu.memref_slice %arg3[%add3A_13] : memref<819200xi32, #tpu.memory_space<hbm>> -> memref<32xi32, #tpu.memory_space<hbm>>
    tpu.enqueue_dma source(%dma_start3A_15 : memref<32xi32, #tpu.memory_space<hbm>>) target(%arg16 : memref<32xi32, #tpu.memory_space<vmem>>) target_semaphore(%arg40 : memref<!tpu.dma_semaphore, #tpu.memory_space<semaphore_mem>>)
    %add3A_16 = arith.constant 96 : i32
    %add3A_17 = arith.addi %mul3A_2, %add3A_16 : i32
    %dma_start3A_18 = tpu.memref_slice %arg3[%add3A_17] : memref<819200xi32, #tpu.memory_space<hbm>> -> memref<32xi32, #tpu.memory_space<hbm>>
    %dma_start3A_19 = tpu.memref_slice %arg3[%add3A_17] : memref<819200xi32, #tpu.memory_space<hbm>> -> memref<32xi32, #tpu.memory_space<hbm>>
    tpu.enqueue_dma source(%dma_start3A_19 : memref<32xi32, #tpu.memory_space<hbm>>) target(%arg17 : memref<32xi32, #tpu.memory_space<vmem>>) target_semaphore(%arg41 : memref<!tpu.dma_semaphore, #tpu.memory_space<semaphore_mem>>)
    %add3A_20 = arith.constant 128 : i32
    %add3A_21 = arith.addi %mul3A_2, %add3A_20 : i32
    %dma_start3A_22 = tpu.memref_slice %arg3[%add3A_21] : memref<819200xi32, #tpu.memory_space<hbm>> -> memref<32xi32, #tpu.memory_space<hbm>>
    %dma_start3A_23 = tpu.memref_slice %arg3[%add3A_21] : memref<819200xi32, #tpu.memory_space<hbm>> -> memref<32xi32, #tpu.memory_space<hbm>>
    tpu.enqueue_dma source(%dma_start3A_23 : memref<32xi32, #tpu.memory_space<hbm>>) target(%arg18 : memref<32xi32, #tpu.memory_space<vmem>>) target_semaphore(%arg42 : memref<!tpu.dma_semaphore, #tpu.memory_space<semaphore_mem>>)
    %add3A_24 = arith.constant 160 : i32
    %add3A_25 = arith.addi %mul3A_2, %add3A_24 : i32
    %dma_start3A_26 = tpu.memref_slice %arg3[%add3A_25] : memref<819200xi32, #tpu.memory_space<hbm>> -> memref<32xi32, #tpu.memory_space<hbm>>
    %dma_start3A_27 = tpu.memref_slice %arg3[%add3A_25] : memref<819200xi32, #tpu.memory_space<hbm>> -> memref<32xi32, #tpu.memory_space<hbm>>
    tpu.enqueue_dma source(%dma_start3A_27 : memref<32xi32, #tpu.memory_space<hbm>>) target(%arg19 : memref<32xi32, #tpu.memory_space<vmem>>) target_semaphore(%arg43 : memref<!tpu.dma_semaphore, #tpu.memory_space<semaphore_mem>>)
    %add3A_28 = arith.constant 192 : i32
    %add3A_29 = arith.addi %mul3A_2, %add3A_28 : i32
    %dma_start3A_30 = tpu.memref_slice %arg3[%add3A_29] : memref<819200xi32, #tpu.memory_space<hbm>> -> memref<32xi32, #tpu.memory_space<hbm>>
    %dma_start3A_31 = tpu.memref_slice %arg3[%add3A_29] : memref<819200xi32, #tpu.memory_space<hbm>> -> memref<32xi32, #tpu.memory_space<hbm>>
    tpu.enqueue_dma source(%dma_start3A_31 : memref<32xi32, #tpu.memory_space<hbm>>) target(%arg20 : memref<32xi32, #tpu.memory_space<vmem>>) target_semaphore(%arg44 : memref<!tpu.dma_semaphore, #tpu.memory_space<semaphore_mem>>)
    %add3A_32 = arith.constant 224 : i32
    %add3A_33 = arith.addi %mul3A_2, %add3A_32 : i32
    %dma_start3A_34 = tpu.memref_slice %arg3[%add3A_33] : memref<819200xi32, #tpu.memory_space<hbm>> -> memref<32xi32, #tpu.memory_space<hbm>>
    %dma_start3A_35 = tpu.memref_slice %arg3[%add3A_33] : memref<819200xi32, #tpu.memory_space<hbm>> -> memref<32xi32, #tpu.memory_space<hbm>>
    tpu.enqueue_dma source(%dma_start3A_35 : memref<32xi32, #tpu.memory_space<hbm>>) target(%arg21 : memref<32xi32, #tpu.memory_space<vmem>>) target_semaphore(%arg45 : memref<!tpu.dma_semaphore, #tpu.memory_space<semaphore_mem>>)
    %barrier3A = arith.constant 0 : index
    tpu.barrier barrier_id(%barrier3A)
    %dma_wait3A = arith.constant 0 : i32
    %dma_wait3A_36 = tpu.memref_slice %arg3[%dma_wait3A] : memref<819200xi32, #tpu.memory_space<hbm>> -> memref<32xi32, #tpu.memory_space<hbm>>
    %dma_wait3A_37 = arith.constant 0 : i32
    %dma_wait3A_38 = tpu.memref_slice %arg3[%dma_wait3A_37] : memref<819200xi32, #tpu.memory_space<hbm>> -> memref<32xi32, #tpu.memory_space<hbm>>
    tpu.wait_dma2 semaphore(%arg38 : memref<!tpu.dma_semaphore, #tpu.memory_space<semaphore_mem>>) src(%dma_wait3A_38 : memref<32xi32, #tpu.memory_space<hbm>>) dst(%arg14 : memref<32xi32, #tpu.memory_space<vmem>>)
    %dma_start3A_39 = arith.constant 0 : i32
    %dma_start3A_40 = arith.constant 0 : i32
    %dma_start3A_41 = tpu.memref_slice %arg5[%dma_start3A_39, %dma_start3A_40] : memref<10001x128xf32, #tpu.memory_space<vmem_shared>> -> memref<10001x128xf32, #tpu.memory_space<vmem_shared>>
    tpu.enqueue_indirect_dma source(%dma_start3A_41 : memref<10001x128xf32, #tpu.memory_space<vmem_shared>>) target(%arg6 : memref<32x128xf32, #tpu.memory_space<vmem>>) offsets(%arg14 : memref<32xi32, #tpu.memory_space<vmem>>) semaphore(%arg22 : memref<!tpu.dma_semaphore, #tpu.memory_space<semaphore_mem>>)
    %dma_wait3A_42 = arith.constant 0 : i32
    %dma_wait3A_43 = tpu.memref_slice %arg3[%dma_wait3A_42] : memref<819200xi32, #tpu.memory_space<hbm>> -> memref<32xi32, #tpu.memory_space<hbm>>
    %dma_wait3A_44 = arith.constant 0 : i32
    %dma_wait3A_45 = tpu.memref_slice %arg3[%dma_wait3A_44] : memref<819200xi32, #tpu.memory_space<hbm>> -> memref<32xi32, #tpu.memory_space<hbm>>
    tpu.wait_dma2 semaphore(%arg39 : memref<!tpu.dma_semaphore, #tpu.memory_space<semaphore_mem>>) src(%dma_wait3A_45 : memref<32xi32, #tpu.memory_space<hbm>>) dst(%arg15 : memref<32xi32, #tpu.memory_space<vmem>>)
    %dma_start3A_46 = arith.constant 0 : i32
    %dma_start3A_47 = arith.constant 0 : i32
    %dma_start3A_48 = tpu.memref_slice %arg5[%dma_start3A_46, %dma_start3A_47] : memref<10001x128xf32, #tpu.memory_space<vmem_shared>> -> memref<10001x128xf32, #tpu.memory_space<vmem_shared>>
    tpu.enqueue_indirect_dma source(%dma_start3A_48 : memref<10001x128xf32, #tpu.memory_space<vmem_shared>>) target(%arg7 : memref<32x128xf32, #tpu.memory_space<vmem>>) offsets(%arg15 : memref<32xi32, #tpu.memory_space<vmem>>) semaphore(%arg23 : memref<!tpu.dma_semaphore, #tpu.memory_space<semaphore_mem>>)
    %dma_wait3A_49 = arith.constant 0 : i32
    %dma_wait3A_50 = tpu.memref_slice %arg3[%dma_wait3A_49] : memref<819200xi32, #tpu.memory_space<hbm>> -> memref<32xi32, #tpu.memory_space<hbm>>
    %dma_wait3A_51 = arith.constant 0 : i32
    %dma_wait3A_52 = tpu.memref_slice %arg3[%dma_wait3A_51] : memref<819200xi32, #tpu.memory_space<hbm>> -> memref<32xi32, #tpu.memory_space<hbm>>
    tpu.wait_dma2 semaphore(%arg40 : memref<!tpu.dma_semaphore, #tpu.memory_space<semaphore_mem>>) src(%dma_wait3A_52 : memref<32xi32, #tpu.memory_space<hbm>>) dst(%arg16 : memref<32xi32, #tpu.memory_space<vmem>>)
    %dma_start3A_53 = arith.constant 0 : i32
    %dma_start3A_54 = arith.constant 0 : i32
    %dma_start3A_55 = tpu.memref_slice %arg5[%dma_start3A_53, %dma_start3A_54] : memref<10001x128xf32, #tpu.memory_space<vmem_shared>> -> memref<10001x128xf32, #tpu.memory_space<vmem_shared>>
    tpu.enqueue_indirect_dma source(%dma_start3A_55 : memref<10001x128xf32, #tpu.memory_space<vmem_shared>>) target(%arg8 : memref<32x128xf32, #tpu.memory_space<vmem>>) offsets(%arg16 : memref<32xi32, #tpu.memory_space<vmem>>) semaphore(%arg24 : memref<!tpu.dma_semaphore, #tpu.memory_space<semaphore_mem>>)
    %scan3A = arith.constant 0 : i32
    %scan3A_56 = arith.constant 0 : i32
    %scan3A_57 = arith.constant 100 : i32
    %scan3A_58 = arith.addi %scan3A_56, %scan3A_57 : i32
    %scan3A_59 = arith.constant 1 : i32
    scf.for %scan3A_91 = %scan3A_56 to %scan3A_58 step %scan3A_59  : i32 {
      %mul3A_92 = arith.constant 8 : i32
      %mul3A_93 = arith.muli %scan3A_91, %mul3A_92 : i32
      %add3A_94 = arith.constant 0 : i32
      %add3A_95 = arith.addi %mul3A_93, %add3A_94 : i32
      %dma_wait3A_96 = arith.constant 0 : i32
      %dma_wait3A_97 = arith.constant 0 : i32
      %dma_wait3A_98 = tpu.memref_slice %arg4[%dma_wait3A_96, %dma_wait3A_97] : memref<819200x128xf32, #tpu.memory_space<hbm>> -> memref<32x128xf32, #tpu.memory_space<hbm>>
      %dma_wait3A_99 = arith.constant 0 : i32
      %dma_wait3A_100 = arith.constant 0 : i32
      %dma_wait3A_101 = tpu.memref_slice %arg4[%dma_wait3A_99, %dma_wait3A_100] : memref<819200x128xf32, #tpu.memory_space<hbm>> -> memref<32x128xf32, #tpu.memory_space<hbm>>
      tpu.wait_dma2 semaphore(%arg22 : memref<!tpu.dma_semaphore, #tpu.memory_space<semaphore_mem>>) src(%dma_wait3A_101 : memref<32x128xf32, #tpu.memory_space<hbm>>) dst(%arg6 : memref<32x128xf32, #tpu.memory_space<vmem>>)
      %mul3A_102 = arith.constant 32 : i32
      %mul3A_103 = arith.muli %add3A_95, %mul3A_102 : i32
      %add3A_104 = arith.addi %mul3A_2, %mul3A_103 : i32
      %dma_start3A_105 = arith.constant 0 : i32
      %dma_start3A_106 = tpu.memref_slice %arg4[%add3A_104, %dma_start3A_105] : memref<819200x128xf32, #tpu.memory_space<hbm>> -> memref<32x128xf32, #tpu.memory_space<hbm>>
      %dma_start3A_107 = arith.constant 0 : i32
      %dma_start3A_108 = tpu.memref_slice %arg4[%add3A_104, %dma_start3A_107] : memref<819200x128xf32, #tpu.memory_space<hbm>> -> memref<32x128xf32, #tpu.memory_space<hbm>>
      tpu.enqueue_dma source(%arg6 : memref<32x128xf32, #tpu.memory_space<vmem>>) target(%dma_start3A_108 : memref<32x128xf32, #tpu.memory_space<hbm>>) target_semaphore(%arg30 : memref<!tpu.dma_semaphore, #tpu.memory_space<semaphore_mem>>)
      %add3A_109 = arith.constant 8 : i32
      %add3A_110 = arith.addi %add3A_95, %add3A_109 : i32
      %lt3A = arith.constant 800 : i32
      %lt3A_111 = arith.cmpi slt, %add3A_110, %lt3A : i32
      %convert_element_type3A_112 = arith.extui %lt3A_111 : i1 to i32
      %cond3A_113 = arith.constant 0 : i32
      %cond3A_114 = arith.cmpi ne, %convert_element_type3A_112, %cond3A_113 : i32
      scf.if %cond3A_114 {
        %add3A_378 = arith.constant 8 : i32
        %add3A_379 = arith.addi %add3A_95, %add3A_378 : i32
        %mul3A_380 = arith.constant 32 : i32
        %mul3A_381 = arith.muli %add3A_379, %mul3A_380 : i32
        %add3A_382 = arith.addi %mul3A_2, %mul3A_381 : i32
        %dma_start3A_383 = tpu.memref_slice %arg3[%add3A_382] : memref<819200xi32, #tpu.memory_space<hbm>> -> memref<32xi32, #tpu.memory_space<hbm>>
        %dma_start3A_384 = tpu.memref_slice %arg3[%add3A_382] : memref<819200xi32, #tpu.memory_space<hbm>> -> memref<32xi32, #tpu.memory_space<hbm>>
        tpu.enqueue_dma source(%dma_start3A_384 : memref<32xi32, #tpu.memory_space<hbm>>) target(%arg14 : memref<32xi32, #tpu.memory_space<vmem>>) target_semaphore(%arg38 : memref<!tpu.dma_semaphore, #tpu.memory_space<semaphore_mem>>)
      } else {
      }
      %add3A_115 = arith.constant 3 : i32
      %add3A_116 = arith.addi %add3A_95, %add3A_115 : i32
      %ge3A = arith.constant 8 : i32
      %ge3A_117 = arith.cmpi sge, %add3A_116, %ge3A : i32
      %convert_element_type3A_118 = arith.extui %ge3A_117 : i1 to i32
      %cond3A_119 = arith.constant 0 : i32
      %cond3A_120 = arith.cmpi ne, %convert_element_type3A_118, %cond3A_119 : i32
      scf.if %cond3A_120 {
        %dma_wait3A_378 = arith.constant 0 : i32
        %dma_wait3A_379 = arith.constant 0 : i32
        %dma_wait3A_380 = tpu.memref_slice %arg4[%dma_wait3A_378, %dma_wait3A_379] : memref<819200x128xf32, #tpu.memory_space<hbm>> -> memref<32x128xf32, #tpu.memory_space<hbm>>
        %dma_wait3A_381 = arith.constant 0 : i32
        %dma_wait3A_382 = arith.constant 0 : i32
        %dma_wait3A_383 = tpu.memref_slice %arg4[%dma_wait3A_381, %dma_wait3A_382] : memref<819200x128xf32, #tpu.memory_space<hbm>> -> memref<32x128xf32, #tpu.memory_space<hbm>>
        tpu.wait_dma2 semaphore(%arg33 : memref<!tpu.dma_semaphore, #tpu.memory_space<semaphore_mem>>) src(%arg9 : memref<32x128xf32, #tpu.memory_space<vmem>>) dst(%dma_wait3A_383 : memref<32x128xf32, #tpu.memory_space<hbm>>)
      } else {
      }
      %lt3A_121 = arith.constant 800 : i32
      %lt3A_122 = arith.cmpi slt, %add3A_116, %lt3A_121 : i32
      %convert_element_type3A_123 = arith.extui %lt3A_122 : i1 to i32
      %cond3A_124 = arith.constant 0 : i32
      %cond3A_125 = arith.cmpi ne, %convert_element_type3A_123, %cond3A_124 : i32
      scf.if %cond3A_125 {
        %dma_wait3A_378 = arith.constant 0 : i32
        %dma_wait3A_379 = tpu.memref_slice %arg3[%dma_wait3A_378] : memref<819200xi32, #tpu.memory_space<hbm>> -> memref<32xi32, #tpu.memory_space<hbm>>
        %dma_wait3A_380 = arith.constant 0 : i32
        %dma_wait3A_381 = tpu.memref_slice %arg3[%dma_wait3A_380] : memref<819200xi32, #tpu.memory_space<hbm>> -> memref<32xi32, #tpu.memory_space<hbm>>
        tpu.wait_dma2 semaphore(%arg41 : memref<!tpu.dma_semaphore, #tpu.memory_space<semaphore_mem>>) src(%dma_wait3A_381 : memref<32xi32, #tpu.memory_space<hbm>>) dst(%arg17 : memref<32xi32, #tpu.memory_space<vmem>>)
        %dma_start3A_382 = arith.constant 0 : i32
        %dma_start3A_383 = arith.constant 0 : i32
        %dma_start3A_384 = tpu.memref_slice %arg5[%dma_start3A_382, %dma_start3A_383] : memref<10001x128xf32, #tpu.memory_space<vmem_shared>> -> memref<10001x128xf32, #tpu.memory_space<vmem_shared>>
        tpu.enqueue_indirect_dma source(%dma_start3A_384 : memref<10001x128xf32, #tpu.memory_space<vmem_shared>>) target(%arg9 : memref<32x128xf32, #tpu.memory_space<vmem>>) offsets(%arg17 : memref<32xi32, #tpu.memory_space<vmem>>) semaphore(%arg25 : memref<!tpu.dma_semaphore, #tpu.memory_space<semaphore_mem>>)
      } else {
      }
      %mul3A_126 = arith.constant 8 : i32
      %mul3A_127 = arith.muli %scan3A_91, %mul3A_126 : i32
      %add3A_128 = arith.constant 1 : i32
      %add3A_129 = arith.addi %mul3A_127, %add3A_128 : i32
      %dma_wait3A_130 = arith.constant 0 : i32
      %dma_wait3A_131 = arith.constant 0 : i32
      %dma_wait3A_132 = tpu.memref_slice %arg4[%dma_wait3A_130, %dma_wait3A_131] : memref<819200x128xf32, #tpu.memory_space<hbm>> -> memref<32x128xf32, #tpu.memory_space<hbm>>
      %dma_wait3A_133 = arith.constant 0 : i32
      %dma_wait3A_134 = arith.constant 0 : i32
      %dma_wait3A_135 = tpu.memref_slice %arg4[%dma_wait3A_133, %dma_wait3A_134] : memref<819200x128xf32, #tpu.memory_space<hbm>> -> memref<32x128xf32, #tpu.memory_space<hbm>>
      tpu.wait_dma2 semaphore(%arg23 : memref<!tpu.dma_semaphore, #tpu.memory_space<semaphore_mem>>) src(%dma_wait3A_135 : memref<32x128xf32, #tpu.memory_space<hbm>>) dst(%arg7 : memref<32x128xf32, #tpu.memory_space<vmem>>)
      %mul3A_136 = arith.constant 32 : i32
      %mul3A_137 = arith.muli %add3A_129, %mul3A_136 : i32
      %add3A_138 = arith.addi %mul3A_2, %mul3A_137 : i32
      %dma_start3A_139 = arith.constant 0 : i32
      %dma_start3A_140 = tpu.memref_slice %arg4[%add3A_138, %dma_start3A_139] : memref<819200x128xf32, #tpu.memory_space<hbm>> -> memref<32x128xf32, #tpu.memory_space<hbm>>
      %dma_start3A_141 = arith.constant 0 : i32
      %dma_start3A_142 = tpu.memref_slice %arg4[%add3A_138, %dma_start3A_141] : memref<819200x128xf32, #tpu.memory_space<hbm>> -> memref<32x128xf32, #tpu.memory_space<hbm>>
      tpu.enqueue_dma source(%arg7 : memref<32x128xf32, #tpu.memory_space<vmem>>) target(%dma_start3A_142 : memref<32x128xf32, #tpu.memory_space<hbm>>) target_semaphore(%arg31 : memref<!tpu.dma_semaphore, #tpu.memory_space<semaphore_mem>>)
      %add3A_143 = arith.constant 8 : i32
      %add3A_144 = arith.addi %add3A_129, %add3A_143 : i32
      %lt3A_145 = arith.constant 800 : i32
      %lt3A_146 = arith.cmpi slt, %add3A_144, %lt3A_145 : i32
      %convert_element_type3A_147 = arith.extui %lt3A_146 : i1 to i32
      %cond3A_148 = arith.constant 0 : i32
      %cond3A_149 = arith.cmpi ne, %convert_element_type3A_147, %cond3A_148 : i32
      scf.if %cond3A_149 {
        %add3A_378 = arith.constant 8 : i32
        %add3A_379 = arith.addi %add3A_129, %add3A_378 : i32
        %mul3A_380 = arith.constant 32 : i32
        %mul3A_381 = arith.muli %add3A_379, %mul3A_380 : i32
        %add3A_382 = arith.addi %mul3A_2, %mul3A_381 : i32
        %dma_start3A_383 = tpu.memref_slice %arg3[%add3A_382] : memref<819200xi32, #tpu.memory_space<hbm>> -> memref<32xi32, #tpu.memory_space<hbm>>
        %dma_start3A_384 = tpu.memref_slice %arg3[%add3A_382] : memref<819200xi32, #tpu.memory_space<hbm>> -> memref<32xi32, #tpu.memory_space<hbm>>
        tpu.enqueue_dma source(%dma_start3A_384 : memref<32xi32, #tpu.memory_space<hbm>>) target(%arg15 : memref<32xi32, #tpu.memory_space<vmem>>) target_semaphore(%arg39 : memref<!tpu.dma_semaphore, #tpu.memory_space<semaphore_mem>>)
      } else {
      }
      %add3A_150 = arith.constant 3 : i32
      %add3A_151 = arith.addi %add3A_129, %add3A_150 : i32
      %ge3A_152 = arith.constant 8 : i32
      %ge3A_153 = arith.cmpi sge, %add3A_151, %ge3A_152 : i32
      %convert_element_type3A_154 = arith.extui %ge3A_153 : i1 to i32
      %cond3A_155 = arith.constant 0 : i32
      %cond3A_156 = arith.cmpi ne, %convert_element_type3A_154, %cond3A_155 : i32
      scf.if %cond3A_156 {
        %dma_wait3A_378 = arith.constant 0 : i32
        %dma_wait3A_379 = arith.constant 0 : i32
        %dma_wait3A_380 = tpu.memref_slice %arg4[%dma_wait3A_378, %dma_wait3A_379] : memref<819200x128xf32, #tpu.memory_space<hbm>> -> memref<32x128xf32, #tpu.memory_space<hbm>>
        %dma_wait3A_381 = arith.constant 0 : i32
        %dma_wait3A_382 = arith.constant 0 : i32
        %dma_wait3A_383 = tpu.memref_slice %arg4[%dma_wait3A_381, %dma_wait3A_382] : memref<819200x128xf32, #tpu.memory_space<hbm>> -> memref<32x128xf32, #tpu.memory_space<hbm>>
        tpu.wait_dma2 semaphore(%arg34 : memref<!tpu.dma_semaphore, #tpu.memory_space<semaphore_mem>>) src(%arg10 : memref<32x128xf32, #tpu.memory_space<vmem>>) dst(%dma_wait3A_383 : memref<32x128xf32, #tpu.memory_space<hbm>>)
      } else {
      }
      %lt3A_157 = arith.constant 800 : i32
      %lt3A_158 = arith.cmpi slt, %add3A_151, %lt3A_157 : i32
      %convert_element_type3A_159 = arith.extui %lt3A_158 : i1 to i32
      %cond3A_160 = arith.constant 0 : i32
      %cond3A_161 = arith.cmpi ne, %convert_element_type3A_159, %cond3A_160 : i32
      scf.if %cond3A_161 {
        %dma_wait3A_378 = arith.constant 0 : i32
        %dma_wait3A_379 = tpu.memref_slice %arg3[%dma_wait3A_378] : memref<819200xi32, #tpu.memory_space<hbm>> -> memref<32xi32, #tpu.memory_space<hbm>>
        %dma_wait3A_380 = arith.constant 0 : i32
        %dma_wait3A_381 = tpu.memref_slice %arg3[%dma_wait3A_380] : memref<819200xi32, #tpu.memory_space<hbm>> -> memref<32xi32, #tpu.memory_space<hbm>>
        tpu.wait_dma2 semaphore(%arg42 : memref<!tpu.dma_semaphore, #tpu.memory_space<semaphore_mem>>) src(%dma_wait3A_381 : memref<32xi32, #tpu.memory_space<hbm>>) dst(%arg18 : memref<32xi32, #tpu.memory_space<vmem>>)
        %dma_start3A_382 = arith.constant 0 : i32
        %dma_start3A_383 = arith.constant 0 : i32
        %dma_start3A_384 = tpu.memref_slice %arg5[%dma_start3A_382, %dma_start3A_383] : memref<10001x128xf32, #tpu.memory_space<vmem_shared>> -> memref<10001x128xf32, #tpu.memory_space<vmem_shared>>
        tpu.enqueue_indirect_dma source(%dma_start3A_384 : memref<10001x128xf32, #tpu.memory_space<vmem_shared>>) target(%arg10 : memref<32x128xf32, #tpu.memory_space<vmem>>) offsets(%arg18 : memref<32xi32, #tpu.memory_space<vmem>>) semaphore(%arg26 : memref<!tpu.dma_semaphore, #tpu.memory_space<semaphore_mem>>)
      } else {
      }
      %mul3A_162 = arith.constant 8 : i32
      %mul3A_163 = arith.muli %scan3A_91, %mul3A_162 : i32
      %add3A_164 = arith.constant 2 : i32
      %add3A_165 = arith.addi %mul3A_163, %add3A_164 : i32
      %dma_wait3A_166 = arith.constant 0 : i32
      %dma_wait3A_167 = arith.constant 0 : i32
      %dma_wait3A_168 = tpu.memref_slice %arg4[%dma_wait3A_166, %dma_wait3A_167] : memref<819200x128xf32, #tpu.memory_space<hbm>> -> memref<32x128xf32, #tpu.memory_space<hbm>>
      %dma_wait3A_169 = arith.constant 0 : i32
      %dma_wait3A_170 = arith.constant 0 : i32
      %dma_wait3A_171 = tpu.memref_slice %arg4[%dma_wait3A_169, %dma_wait3A_170] : memref<819200x128xf32, #tpu.memory_space<hbm>> -> memref<32x128xf32, #tpu.memory_space<hbm>>
      tpu.wait_dma2 semaphore(%arg24 : memref<!tpu.dma_semaphore, #tpu.memory_space<semaphore_mem>>) src(%dma_wait3A_171 : memref<32x128xf32, #tpu.memory_space<hbm>>) dst(%arg8 : memref<32x128xf32, #tpu.memory_space<vmem>>)
      %mul3A_172 = arith.constant 32 : i32
      %mul3A_173 = arith.muli %add3A_165, %mul3A_172 : i32
      %add3A_174 = arith.addi %mul3A_2, %mul3A_173 : i32
      %dma_start3A_175 = arith.constant 0 : i32
      %dma_start3A_176 = tpu.memref_slice %arg4[%add3A_174, %dma_start3A_175] : memref<819200x128xf32, #tpu.memory_space<hbm>> -> memref<32x128xf32, #tpu.memory_space<hbm>>
      %dma_start3A_177 = arith.constant 0 : i32
      %dma_start3A_178 = tpu.memref_slice %arg4[%add3A_174, %dma_start3A_177] : memref<819200x128xf32, #tpu.memory_space<hbm>> -> memref<32x128xf32, #tpu.memory_space<hbm>>
      tpu.enqueue_dma source(%arg8 : memref<32x128xf32, #tpu.memory_space<vmem>>) target(%dma_start3A_178 : memref<32x128xf32, #tpu.memory_space<hbm>>) target_semaphore(%arg32 : memref<!tpu.dma_semaphore, #tpu.memory_space<semaphore_mem>>)
      %add3A_179 = arith.constant 8 : i32
      %add3A_180 = arith.addi %add3A_165, %add3A_179 : i32
      %lt3A_181 = arith.constant 800 : i32
      %lt3A_182 = arith.cmpi slt, %add3A_180, %lt3A_181 : i32
      %convert_element_type3A_183 = arith.extui %lt3A_182 : i1 to i32
      %cond3A_184 = arith.constant 0 : i32
      %cond3A_185 = arith.cmpi ne, %convert_element_type3A_183, %cond3A_184 : i32
      scf.if %cond3A_185 {
        %add3A_378 = arith.constant 8 : i32
        %add3A_379 = arith.addi %add3A_165, %add3A_378 : i32
        %mul3A_380 = arith.constant 32 : i32
        %mul3A_381 = arith.muli %add3A_379, %mul3A_380 : i32
        %add3A_382 = arith.addi %mul3A_2, %mul3A_381 : i32
        %dma_start3A_383 = tpu.memref_slice %arg3[%add3A_382] : memref<819200xi32, #tpu.memory_space<hbm>> -> memref<32xi32, #tpu.memory_space<hbm>>
        %dma_start3A_384 = tpu.memref_slice %arg3[%add3A_382] : memref<819200xi32, #tpu.memory_space<hbm>> -> memref<32xi32, #tpu.memory_space<hbm>>
        tpu.enqueue_dma source(%dma_start3A_384 : memref<32xi32, #tpu.memory_space<hbm>>) target(%arg16 : memref<32xi32, #tpu.memory_space<vmem>>) target_semaphore(%arg40 : memref<!tpu.dma_semaphore, #tpu.memory_space<semaphore_mem>>)
      } else {
      }
      %add3A_186 = arith.constant 3 : i32
      %add3A_187 = arith.addi %add3A_165, %add3A_186 : i32
      %ge3A_188 = arith.constant 8 : i32
      %ge3A_189 = arith.cmpi sge, %add3A_187, %ge3A_188 : i32
      %convert_element_type3A_190 = arith.extui %ge3A_189 : i1 to i32
      %cond3A_191 = arith.constant 0 : i32
      %cond3A_192 = arith.cmpi ne, %convert_element_type3A_190, %cond3A_191 : i32
      scf.if %cond3A_192 {
        %dma_wait3A_378 = arith.constant 0 : i32
        %dma_wait3A_379 = arith.constant 0 : i32
        %dma_wait3A_380 = tpu.memref_slice %arg4[%dma_wait3A_378, %dma_wait3A_379] : memref<819200x128xf32, #tpu.memory_space<hbm>> -> memref<32x128xf32, #tpu.memory_space<hbm>>
        %dma_wait3A_381 = arith.constant 0 : i32
        %dma_wait3A_382 = arith.constant 0 : i32
        %dma_wait3A_383 = tpu.memref_slice %arg4[%dma_wait3A_381, %dma_wait3A_382] : memref<819200x128xf32, #tpu.memory_space<hbm>> -> memref<32x128xf32, #tpu.memory_space<hbm>>
        tpu.wait_dma2 semaphore(%arg35 : memref<!tpu.dma_semaphore, #tpu.memory_space<semaphore_mem>>) src(%arg11 : memref<32x128xf32, #tpu.memory_space<vmem>>) dst(%dma_wait3A_383 : memref<32x128xf32, #tpu.memory_space<hbm>>)
      } else {
      }
      %lt3A_193 = arith.constant 800 : i32
      %lt3A_194 = arith.cmpi slt, %add3A_187, %lt3A_193 : i32
      %convert_element_type3A_195 = arith.extui %lt3A_194 : i1 to i32
      %cond3A_196 = arith.constant 0 : i32
      %cond3A_197 = arith.cmpi ne, %convert_element_type3A_195, %cond3A_196 : i32
      scf.if %cond3A_197 {
        %dma_wait3A_378 = arith.constant 0 : i32
        %dma_wait3A_379 = tpu.memref_slice %arg3[%dma_wait3A_378] : memref<819200xi32, #tpu.memory_space<hbm>> -> memref<32xi32, #tpu.memory_space<hbm>>
        %dma_wait3A_380 = arith.constant 0 : i32
        %dma_wait3A_381 = tpu.memref_slice %arg3[%dma_wait3A_380] : memref<819200xi32, #tpu.memory_space<hbm>> -> memref<32xi32, #tpu.memory_space<hbm>>
        tpu.wait_dma2 semaphore(%arg43 : memref<!tpu.dma_semaphore, #tpu.memory_space<semaphore_mem>>) src(%dma_wait3A_381 : memref<32xi32, #tpu.memory_space<hbm>>) dst(%arg19 : memref<32xi32, #tpu.memory_space<vmem>>)
        %dma_start3A_382 = arith.constant 0 : i32
        %dma_start3A_383 = arith.constant 0 : i32
        %dma_start3A_384 = tpu.memref_slice %arg5[%dma_start3A_382, %dma_start3A_383] : memref<10001x128xf32, #tpu.memory_space<vmem_shared>> -> memref<10001x128xf32, #tpu.memory_space<vmem_shared>>
        tpu.enqueue_indirect_dma source(%dma_start3A_384 : memref<10001x128xf32, #tpu.memory_space<vmem_shared>>) target(%arg11 : memref<32x128xf32, #tpu.memory_space<vmem>>) offsets(%arg19 : memref<32xi32, #tpu.memory_space<vmem>>) semaphore(%arg27 : memref<!tpu.dma_semaphore, #tpu.memory_space<semaphore_mem>>)
      } else {
      }
      %mul3A_198 = arith.constant 8 : i32
      %mul3A_199 = arith.muli %scan3A_91, %mul3A_198 : i32
      %add3A_200 = arith.constant 3 : i32
      %add3A_201 = arith.addi %mul3A_199, %add3A_200 : i32
      %dma_wait3A_202 = arith.constant 0 : i32
      %dma_wait3A_203 = arith.constant 0 : i32
      %dma_wait3A_204 = tpu.memref_slice %arg4[%dma_wait3A_202, %dma_wait3A_203] : memref<819200x128xf32, #tpu.memory_space<hbm>> -> memref<32x128xf32, #tpu.memory_space<hbm>>
      %dma_wait3A_205 = arith.constant 0 : i32
      %dma_wait3A_206 = arith.constant 0 : i32
      %dma_wait3A_207 = tpu.memref_slice %arg4[%dma_wait3A_205, %dma_wait3A_206] : memref<819200x128xf32, #tpu.memory_space<hbm>> -> memref<32x128xf32, #tpu.memory_space<hbm>>
      tpu.wait_dma2 semaphore(%arg25 : memref<!tpu.dma_semaphore, #tpu.memory_space<semaphore_mem>>) src(%dma_wait3A_207 : memref<32x128xf32, #tpu.memory_space<hbm>>) dst(%arg9 : memref<32x128xf32, #tpu.memory_space<vmem>>)
      %mul3A_208 = arith.constant 32 : i32
      %mul3A_209 = arith.muli %add3A_201, %mul3A_208 : i32
      %add3A_210 = arith.addi %mul3A_2, %mul3A_209 : i32
      %dma_start3A_211 = arith.constant 0 : i32
      %dma_start3A_212 = tpu.memref_slice %arg4[%add3A_210, %dma_start3A_211] : memref<819200x128xf32, #tpu.memory_space<hbm>> -> memref<32x128xf32, #tpu.memory_space<hbm>>
      %dma_start3A_213 = arith.constant 0 : i32
      %dma_start3A_214 = tpu.memref_slice %arg4[%add3A_210, %dma_start3A_213] : memref<819200x128xf32, #tpu.memory_space<hbm>> -> memref<32x128xf32, #tpu.memory_space<hbm>>
      tpu.enqueue_dma source(%arg9 : memref<32x128xf32, #tpu.memory_space<vmem>>) target(%dma_start3A_214 : memref<32x128xf32, #tpu.memory_space<hbm>>) target_semaphore(%arg33 : memref<!tpu.dma_semaphore, #tpu.memory_space<semaphore_mem>>)
      %add3A_215 = arith.constant 8 : i32
      %add3A_216 = arith.addi %add3A_201, %add3A_215 : i32
      %lt3A_217 = arith.constant 800 : i32
      %lt3A_218 = arith.cmpi slt, %add3A_216, %lt3A_217 : i32
      %convert_element_type3A_219 = arith.extui %lt3A_218 : i1 to i32
      %cond3A_220 = arith.constant 0 : i32
      %cond3A_221 = arith.cmpi ne, %convert_element_type3A_219, %cond3A_220 : i32
      scf.if %cond3A_221 {
        %add3A_378 = arith.constant 8 : i32
        %add3A_379 = arith.addi %add3A_201, %add3A_378 : i32
        %mul3A_380 = arith.constant 32 : i32
        %mul3A_381 = arith.muli %add3A_379, %mul3A_380 : i32
        %add3A_382 = arith.addi %mul3A_2, %mul3A_381 : i32
        %dma_start3A_383 = tpu.memref_slice %arg3[%add3A_382] : memref<819200xi32, #tpu.memory_space<hbm>> -> memref<32xi32, #tpu.memory_space<hbm>>
        %dma_start3A_384 = tpu.memref_slice %arg3[%add3A_382] : memref<819200xi32, #tpu.memory_space<hbm>> -> memref<32xi32, #tpu.memory_space<hbm>>
        tpu.enqueue_dma source(%dma_start3A_384 : memref<32xi32, #tpu.memory_space<hbm>>) target(%arg17 : memref<32xi32, #tpu.memory_space<vmem>>) target_semaphore(%arg41 : memref<!tpu.dma_semaphore, #tpu.memory_space<semaphore_mem>>)
      } else {
      }
      %add3A_222 = arith.constant 3 : i32
      %add3A_223 = arith.addi %add3A_201, %add3A_222 : i32
      %ge3A_224 = arith.constant 8 : i32
      %ge3A_225 = arith.cmpi sge, %add3A_223, %ge3A_224 : i32
      %convert_element_type3A_226 = arith.extui %ge3A_225 : i1 to i32
      %cond3A_227 = arith.constant 0 : i32
      %cond3A_228 = arith.cmpi ne, %convert_element_type3A_226, %cond3A_227 : i32
      scf.if %cond3A_228 {
        %dma_wait3A_378 = arith.constant 0 : i32
        %dma_wait3A_379 = arith.constant 0 : i32
        %dma_wait3A_380 = tpu.memref_slice %arg4[%dma_wait3A_378, %dma_wait3A_379] : memref<819200x128xf32, #tpu.memory_space<hbm>> -> memref<32x128xf32, #tpu.memory_space<hbm>>
        %dma_wait3A_381 = arith.constant 0 : i32
        %dma_wait3A_382 = arith.constant 0 : i32
        %dma_wait3A_383 = tpu.memref_slice %arg4[%dma_wait3A_381, %dma_wait3A_382] : memref<819200x128xf32, #tpu.memory_space<hbm>> -> memref<32x128xf32, #tpu.memory_space<hbm>>
        tpu.wait_dma2 semaphore(%arg36 : memref<!tpu.dma_semaphore, #tpu.memory_space<semaphore_mem>>) src(%arg12 : memref<32x128xf32, #tpu.memory_space<vmem>>) dst(%dma_wait3A_383 : memref<32x128xf32, #tpu.memory_space<hbm>>)
      } else {
      }
      %lt3A_229 = arith.constant 800 : i32
      %lt3A_230 = arith.cmpi slt, %add3A_223, %lt3A_229 : i32
      %convert_element_type3A_231 = arith.extui %lt3A_230 : i1 to i32
      %cond3A_232 = arith.constant 0 : i32
      %cond3A_233 = arith.cmpi ne, %convert_element_type3A_231, %cond3A_232 : i32
      scf.if %cond3A_233 {
        %dma_wait3A_378 = arith.constant 0 : i32
        %dma_wait3A_379 = tpu.memref_slice %arg3[%dma_wait3A_378] : memref<819200xi32, #tpu.memory_space<hbm>> -> memref<32xi32, #tpu.memory_space<hbm>>
        %dma_wait3A_380 = arith.constant 0 : i32
        %dma_wait3A_381 = tpu.memref_slice %arg3[%dma_wait3A_380] : memref<819200xi32, #tpu.memory_space<hbm>> -> memref<32xi32, #tpu.memory_space<hbm>>
        tpu.wait_dma2 semaphore(%arg44 : memref<!tpu.dma_semaphore, #tpu.memory_space<semaphore_mem>>) src(%dma_wait3A_381 : memref<32xi32, #tpu.memory_space<hbm>>) dst(%arg20 : memref<32xi32, #tpu.memory_space<vmem>>)
        %dma_start3A_382 = arith.constant 0 : i32
        %dma_start3A_383 = arith.constant 0 : i32
        %dma_start3A_384 = tpu.memref_slice %arg5[%dma_start3A_382, %dma_start3A_383] : memref<10001x128xf32, #tpu.memory_space<vmem_shared>> -> memref<10001x128xf32, #tpu.memory_space<vmem_shared>>
        tpu.enqueue_indirect_dma source(%dma_start3A_384 : memref<10001x128xf32, #tpu.memory_space<vmem_shared>>) target(%arg12 : memref<32x128xf32, #tpu.memory_space<vmem>>) offsets(%arg20 : memref<32xi32, #tpu.memory_space<vmem>>) semaphore(%arg28 : memref<!tpu.dma_semaphore, #tpu.memory_space<semaphore_mem>>)
      } else {
      }
      %mul3A_234 = arith.constant 8 : i32
      %mul3A_235 = arith.muli %scan3A_91, %mul3A_234 : i32
      %add3A_236 = arith.constant 4 : i32
      %add3A_237 = arith.addi %mul3A_235, %add3A_236 : i32
      %dma_wait3A_238 = arith.constant 0 : i32
      %dma_wait3A_239 = arith.constant 0 : i32
      %dma_wait3A_240 = tpu.memref_slice %arg4[%dma_wait3A_238, %dma_wait3A_239] : memref<819200x128xf32, #tpu.memory_space<hbm>> -> memref<32x128xf32, #tpu.memory_space<hbm>>
      %dma_wait3A_241 = arith.constant 0 : i32
      %dma_wait3A_242 = arith.constant 0 : i32
      %dma_wait3A_243 = tpu.memref_slice %arg4[%dma_wait3A_241, %dma_wait3A_242] : memref<819200x128xf32, #tpu.memory_space<hbm>> -> memref<32x128xf32, #tpu.memory_space<hbm>>
      tpu.wait_dma2 semaphore(%arg26 : memref<!tpu.dma_semaphore, #tpu.memory_space<semaphore_mem>>) src(%dma_wait3A_243 : memref<32x128xf32, #tpu.memory_space<hbm>>) dst(%arg10 : memref<32x128xf32, #tpu.memory_space<vmem>>)
      %mul3A_244 = arith.constant 32 : i32
      %mul3A_245 = arith.muli %add3A_237, %mul3A_244 : i32
      %add3A_246 = arith.addi %mul3A_2, %mul3A_245 : i32
      %dma_start3A_247 = arith.constant 0 : i32
      %dma_start3A_248 = tpu.memref_slice %arg4[%add3A_246, %dma_start3A_247] : memref<819200x128xf32, #tpu.memory_space<hbm>> -> memref<32x128xf32, #tpu.memory_space<hbm>>
      %dma_start3A_249 = arith.constant 0 : i32
      %dma_start3A_250 = tpu.memref_slice %arg4[%add3A_246, %dma_start3A_249] : memref<819200x128xf32, #tpu.memory_space<hbm>> -> memref<32x128xf32, #tpu.memory_space<hbm>>
      tpu.enqueue_dma source(%arg10 : memref<32x128xf32, #tpu.memory_space<vmem>>) target(%dma_start3A_250 : memref<32x128xf32, #tpu.memory_space<hbm>>) target_semaphore(%arg34 : memref<!tpu.dma_semaphore, #tpu.memory_space<semaphore_mem>>)
      %add3A_251 = arith.constant 8 : i32
      %add3A_252 = arith.addi %add3A_237, %add3A_251 : i32
      %lt3A_253 = arith.constant 800 : i32
      %lt3A_254 = arith.cmpi slt, %add3A_252, %lt3A_253 : i32
      %convert_element_type3A_255 = arith.extui %lt3A_254 : i1 to i32
      %cond3A_256 = arith.constant 0 : i32
      %cond3A_257 = arith.cmpi ne, %convert_element_type3A_255, %cond3A_256 : i32
      scf.if %cond3A_257 {
        %add3A_378 = arith.constant 8 : i32
        %add3A_379 = arith.addi %add3A_237, %add3A_378 : i32
        %mul3A_380 = arith.constant 32 : i32
        %mul3A_381 = arith.muli %add3A_379, %mul3A_380 : i32
        %add3A_382 = arith.addi %mul3A_2, %mul3A_381 : i32
        %dma_start3A_383 = tpu.memref_slice %arg3[%add3A_382] : memref<819200xi32, #tpu.memory_space<hbm>> -> memref<32xi32, #tpu.memory_space<hbm>>
        %dma_start3A_384 = tpu.memref_slice %arg3[%add3A_382] : memref<819200xi32, #tpu.memory_space<hbm>> -> memref<32xi32, #tpu.memory_space<hbm>>
        tpu.enqueue_dma source(%dma_start3A_384 : memref<32xi32, #tpu.memory_space<hbm>>) target(%arg18 : memref<32xi32, #tpu.memory_space<vmem>>) target_semaphore(%arg42 : memref<!tpu.dma_semaphore, #tpu.memory_space<semaphore_mem>>)
      } else {
      }
      %add3A_258 = arith.constant 3 : i32
      %add3A_259 = arith.addi %add3A_237, %add3A_258 : i32
      %ge3A_260 = arith.constant 8 : i32
      %ge3A_261 = arith.cmpi sge, %add3A_259, %ge3A_260 : i32
      %convert_element_type3A_262 = arith.extui %ge3A_261 : i1 to i32
      %cond3A_263 = arith.constant 0 : i32
      %cond3A_264 = arith.cmpi ne, %convert_element_type3A_262, %cond3A_263 : i32
      scf.if %cond3A_264 {
        %dma_wait3A_378 = arith.constant 0 : i32
        %dma_wait3A_379 = arith.constant 0 : i32
        %dma_wait3A_380 = tpu.memref_slice %arg4[%dma_wait3A_378, %dma_wait3A_379] : memref<819200x128xf32, #tpu.memory_space<hbm>> -> memref<32x128xf32, #tpu.memory_space<hbm>>
        %dma_wait3A_381 = arith.constant 0 : i32
        %dma_wait3A_382 = arith.constant 0 : i32
        %dma_wait3A_383 = tpu.memref_slice %arg4[%dma_wait3A_381, %dma_wait3A_382] : memref<819200x128xf32, #tpu.memory_space<hbm>> -> memref<32x128xf32, #tpu.memory_space<hbm>>
        tpu.wait_dma2 semaphore(%arg37 : memref<!tpu.dma_semaphore, #tpu.memory_space<semaphore_mem>>) src(%arg13 : memref<32x128xf32, #tpu.memory_space<vmem>>) dst(%dma_wait3A_383 : memref<32x128xf32, #tpu.memory_space<hbm>>)
      } else {
      }
      %lt3A_265 = arith.constant 800 : i32
      %lt3A_266 = arith.cmpi slt, %add3A_259, %lt3A_265 : i32
      %convert_element_type3A_267 = arith.extui %lt3A_266 : i1 to i32
      %cond3A_268 = arith.constant 0 : i32
      %cond3A_269 = arith.cmpi ne, %convert_element_type3A_267, %cond3A_268 : i32
      scf.if %cond3A_269 {
        %dma_wait3A_378 = arith.constant 0 : i32
        %dma_wait3A_379 = tpu.memref_slice %arg3[%dma_wait3A_378] : memref<819200xi32, #tpu.memory_space<hbm>> -> memref<32xi32, #tpu.memory_space<hbm>>
        %dma_wait3A_380 = arith.constant 0 : i32
        %dma_wait3A_381 = tpu.memref_slice %arg3[%dma_wait3A_380] : memref<819200xi32, #tpu.memory_space<hbm>> -> memref<32xi32, #tpu.memory_space<hbm>>
        tpu.wait_dma2 semaphore(%arg45 : memref<!tpu.dma_semaphore, #tpu.memory_space<semaphore_mem>>) src(%dma_wait3A_381 : memref<32xi32, #tpu.memory_space<hbm>>) dst(%arg21 : memref<32xi32, #tpu.memory_space<vmem>>)
        %dma_start3A_382 = arith.constant 0 : i32
        %dma_start3A_383 = arith.constant 0 : i32
        %dma_start3A_384 = tpu.memref_slice %arg5[%dma_start3A_382, %dma_start3A_383] : memref<10001x128xf32, #tpu.memory_space<vmem_shared>> -> memref<10001x128xf32, #tpu.memory_space<vmem_shared>>
        tpu.enqueue_indirect_dma source(%dma_start3A_384 : memref<10001x128xf32, #tpu.memory_space<vmem_shared>>) target(%arg13 : memref<32x128xf32, #tpu.memory_space<vmem>>) offsets(%arg21 : memref<32xi32, #tpu.memory_space<vmem>>) semaphore(%arg29 : memref<!tpu.dma_semaphore, #tpu.memory_space<semaphore_mem>>)
      } else {
      }
      %mul3A_270 = arith.constant 8 : i32
      %mul3A_271 = arith.muli %scan3A_91, %mul3A_270 : i32
      %add3A_272 = arith.constant 5 : i32
      %add3A_273 = arith.addi %mul3A_271, %add3A_272 : i32
      %dma_wait3A_274 = arith.constant 0 : i32
      %dma_wait3A_275 = arith.constant 0 : i32
      %dma_wait3A_276 = tpu.memref_slice %arg4[%dma_wait3A_274, %dma_wait3A_275] : memref<819200x128xf32, #tpu.memory_space<hbm>> -> memref<32x128xf32, #tpu.memory_space<hbm>>
      %dma_wait3A_277 = arith.constant 0 : i32
      %dma_wait3A_278 = arith.constant 0 : i32
      %dma_wait3A_279 = tpu.memref_slice %arg4[%dma_wait3A_277, %dma_wait3A_278] : memref<819200x128xf32, #tpu.memory_space<hbm>> -> memref<32x128xf32, #tpu.memory_space<hbm>>
      tpu.wait_dma2 semaphore(%arg27 : memref<!tpu.dma_semaphore, #tpu.memory_space<semaphore_mem>>) src(%dma_wait3A_279 : memref<32x128xf32, #tpu.memory_space<hbm>>) dst(%arg11 : memref<32x128xf32, #tpu.memory_space<vmem>>)
      %mul3A_280 = arith.constant 32 : i32
      %mul3A_281 = arith.muli %add3A_273, %mul3A_280 : i32
      %add3A_282 = arith.addi %mul3A_2, %mul3A_281 : i32
      %dma_start3A_283 = arith.constant 0 : i32
      %dma_start3A_284 = tpu.memref_slice %arg4[%add3A_282, %dma_start3A_283] : memref<819200x128xf32, #tpu.memory_space<hbm>> -> memref<32x128xf32, #tpu.memory_space<hbm>>
      %dma_start3A_285 = arith.constant 0 : i32
      %dma_start3A_286 = tpu.memref_slice %arg4[%add3A_282, %dma_start3A_285] : memref<819200x128xf32, #tpu.memory_space<hbm>> -> memref<32x128xf32, #tpu.memory_space<hbm>>
      tpu.enqueue_dma source(%arg11 : memref<32x128xf32, #tpu.memory_space<vmem>>) target(%dma_start3A_286 : memref<32x128xf32, #tpu.memory_space<hbm>>) target_semaphore(%arg35 : memref<!tpu.dma_semaphore, #tpu.memory_space<semaphore_mem>>)
      %add3A_287 = arith.constant 8 : i32
      %add3A_288 = arith.addi %add3A_273, %add3A_287 : i32
      %lt3A_289 = arith.constant 800 : i32
      %lt3A_290 = arith.cmpi slt, %add3A_288, %lt3A_289 : i32
      %convert_element_type3A_291 = arith.extui %lt3A_290 : i1 to i32
      %cond3A_292 = arith.constant 0 : i32
      %cond3A_293 = arith.cmpi ne, %convert_element_type3A_291, %cond3A_292 : i32
      scf.if %cond3A_293 {
        %add3A_378 = arith.constant 8 : i32
        %add3A_379 = arith.addi %add3A_273, %add3A_378 : i32
        %mul3A_380 = arith.constant 32 : i32
        %mul3A_381 = arith.muli %add3A_379, %mul3A_380 : i32
        %add3A_382 = arith.addi %mul3A_2, %mul3A_381 : i32
        %dma_start3A_383 = tpu.memref_slice %arg3[%add3A_382] : memref<819200xi32, #tpu.memory_space<hbm>> -> memref<32xi32, #tpu.memory_space<hbm>>
        %dma_start3A_384 = tpu.memref_slice %arg3[%add3A_382] : memref<819200xi32, #tpu.memory_space<hbm>> -> memref<32xi32, #tpu.memory_space<hbm>>
        tpu.enqueue_dma source(%dma_start3A_384 : memref<32xi32, #tpu.memory_space<hbm>>) target(%arg19 : memref<32xi32, #tpu.memory_space<vmem>>) target_semaphore(%arg43 : memref<!tpu.dma_semaphore, #tpu.memory_space<semaphore_mem>>)
      } else {
      }
      %add3A_294 = arith.constant 3 : i32
      %add3A_295 = arith.addi %add3A_273, %add3A_294 : i32
      %ge3A_296 = arith.constant 8 : i32
      %ge3A_297 = arith.cmpi sge, %add3A_295, %ge3A_296 : i32
      %convert_element_type3A_298 = arith.extui %ge3A_297 : i1 to i32
      %cond3A_299 = arith.constant 0 : i32
      %cond3A_300 = arith.cmpi ne, %convert_element_type3A_298, %cond3A_299 : i32
      scf.if %cond3A_300 {
        %dma_wait3A_378 = arith.constant 0 : i32
        %dma_wait3A_379 = arith.constant 0 : i32
        %dma_wait3A_380 = tpu.memref_slice %arg4[%dma_wait3A_378, %dma_wait3A_379] : memref<819200x128xf32, #tpu.memory_space<hbm>> -> memref<32x128xf32, #tpu.memory_space<hbm>>
        %dma_wait3A_381 = arith.constant 0 : i32
        %dma_wait3A_382 = arith.constant 0 : i32
        %dma_wait3A_383 = tpu.memref_slice %arg4[%dma_wait3A_381, %dma_wait3A_382] : memref<819200x128xf32, #tpu.memory_space<hbm>> -> memref<32x128xf32, #tpu.memory_space<hbm>>
        tpu.wait_dma2 semaphore(%arg30 : memref<!tpu.dma_semaphore, #tpu.memory_space<semaphore_mem>>) src(%arg6 : memref<32x128xf32, #tpu.memory_space<vmem>>) dst(%dma_wait3A_383 : memref<32x128xf32, #tpu.memory_space<hbm>>)
      } else {
      }
      %lt3A_301 = arith.constant 800 : i32
      %lt3A_302 = arith.cmpi slt, %add3A_295, %lt3A_301 : i32
      %convert_element_type3A_303 = arith.extui %lt3A_302 : i1 to i32
      %cond3A_304 = arith.constant 0 : i32
      %cond3A_305 = arith.cmpi ne, %convert_element_type3A_303, %cond3A_304 : i32
      scf.if %cond3A_305 {
        %dma_wait3A_378 = arith.constant 0 : i32
        %dma_wait3A_379 = tpu.memref_slice %arg3[%dma_wait3A_378] : memref<819200xi32, #tpu.memory_space<hbm>> -> memref<32xi32, #tpu.memory_space<hbm>>
        %dma_wait3A_380 = arith.constant 0 : i32
        %dma_wait3A_381 = tpu.memref_slice %arg3[%dma_wait3A_380] : memref<819200xi32, #tpu.memory_space<hbm>> -> memref<32xi32, #tpu.memory_space<hbm>>
        tpu.wait_dma2 semaphore(%arg38 : memref<!tpu.dma_semaphore, #tpu.memory_space<semaphore_mem>>) src(%dma_wait3A_381 : memref<32xi32, #tpu.memory_space<hbm>>) dst(%arg14 : memref<32xi32, #tpu.memory_space<vmem>>)
        %dma_start3A_382 = arith.constant 0 : i32
        %dma_start3A_383 = arith.constant 0 : i32
        %dma_start3A_384 = tpu.memref_slice %arg5[%dma_start3A_382, %dma_start3A_383] : memref<10001x128xf32, #tpu.memory_space<vmem_shared>> -> memref<10001x128xf32, #tpu.memory_space<vmem_shared>>
        tpu.enqueue_indirect_dma source(%dma_start3A_384 : memref<10001x128xf32, #tpu.memory_space<vmem_shared>>) target(%arg6 : memref<32x128xf32, #tpu.memory_space<vmem>>) offsets(%arg14 : memref<32xi32, #tpu.memory_space<vmem>>) semaphore(%arg22 : memref<!tpu.dma_semaphore, #tpu.memory_space<semaphore_mem>>)
      } else {
      }
      %mul3A_306 = arith.constant 8 : i32
      %mul3A_307 = arith.muli %scan3A_91, %mul3A_306 : i32
      %add3A_308 = arith.constant 6 : i32
      %add3A_309 = arith.addi %mul3A_307, %add3A_308 : i32
      %dma_wait3A_310 = arith.constant 0 : i32
      %dma_wait3A_311 = arith.constant 0 : i32
      %dma_wait3A_312 = tpu.memref_slice %arg4[%dma_wait3A_310, %dma_wait3A_311] : memref<819200x128xf32, #tpu.memory_space<hbm>> -> memref<32x128xf32, #tpu.memory_space<hbm>>
      %dma_wait3A_313 = arith.constant 0 : i32
      %dma_wait3A_314 = arith.constant 0 : i32
      %dma_wait3A_315 = tpu.memref_slice %arg4[%dma_wait3A_313, %dma_wait3A_314] : memref<819200x128xf32, #tpu.memory_space<hbm>> -> memref<32x128xf32, #tpu.memory_space<hbm>>
      tpu.wait_dma2 semaphore(%arg28 : memref<!tpu.dma_semaphore, #tpu.memory_space<semaphore_mem>>) src(%dma_wait3A_315 : memref<32x128xf32, #tpu.memory_space<hbm>>) dst(%arg12 : memref<32x128xf32, #tpu.memory_space<vmem>>)
      %mul3A_316 = arith.constant 32 : i32
      %mul3A_317 = arith.muli %add3A_309, %mul3A_316 : i32
      %add3A_318 = arith.addi %mul3A_2, %mul3A_317 : i32
      %dma_start3A_319 = arith.constant 0 : i32
      %dma_start3A_320 = tpu.memref_slice %arg4[%add3A_318, %dma_start3A_319] : memref<819200x128xf32, #tpu.memory_space<hbm>> -> memref<32x128xf32, #tpu.memory_space<hbm>>
      %dma_start3A_321 = arith.constant 0 : i32
      %dma_start3A_322 = tpu.memref_slice %arg4[%add3A_318, %dma_start3A_321] : memref<819200x128xf32, #tpu.memory_space<hbm>> -> memref<32x128xf32, #tpu.memory_space<hbm>>
      tpu.enqueue_dma source(%arg12 : memref<32x128xf32, #tpu.memory_space<vmem>>) target(%dma_start3A_322 : memref<32x128xf32, #tpu.memory_space<hbm>>) target_semaphore(%arg36 : memref<!tpu.dma_semaphore, #tpu.memory_space<semaphore_mem>>)
      %add3A_323 = arith.constant 8 : i32
      %add3A_324 = arith.addi %add3A_309, %add3A_323 : i32
      %lt3A_325 = arith.constant 800 : i32
      %lt3A_326 = arith.cmpi slt, %add3A_324, %lt3A_325 : i32
      %convert_element_type3A_327 = arith.extui %lt3A_326 : i1 to i32
      %cond3A_328 = arith.constant 0 : i32
      %cond3A_329 = arith.cmpi ne, %convert_element_type3A_327, %cond3A_328 : i32
      scf.if %cond3A_329 {
        %add3A_378 = arith.constant 8 : i32
        %add3A_379 = arith.addi %add3A_309, %add3A_378 : i32
        %mul3A_380 = arith.constant 32 : i32
        %mul3A_381 = arith.muli %add3A_379, %mul3A_380 : i32
        %add3A_382 = arith.addi %mul3A_2, %mul3A_381 : i32
        %dma_start3A_383 = tpu.memref_slice %arg3[%add3A_382] : memref<819200xi32, #tpu.memory_space<hbm>> -> memref<32xi32, #tpu.memory_space<hbm>>
        %dma_start3A_384 = tpu.memref_slice %arg3[%add3A_382] : memref<819200xi32, #tpu.memory_space<hbm>> -> memref<32xi32, #tpu.memory_space<hbm>>
        tpu.enqueue_dma source(%dma_start3A_384 : memref<32xi32, #tpu.memory_space<hbm>>) target(%arg20 : memref<32xi32, #tpu.memory_space<vmem>>) target_semaphore(%arg44 : memref<!tpu.dma_semaphore, #tpu.memory_space<semaphore_mem>>)
      } else {
      }
      %add3A_330 = arith.constant 3 : i32
      %add3A_331 = arith.addi %add3A_309, %add3A_330 : i32
      %ge3A_332 = arith.constant 8 : i32
      %ge3A_333 = arith.cmpi sge, %add3A_331, %ge3A_332 : i32
      %convert_element_type3A_334 = arith.extui %ge3A_333 : i1 to i32
      %cond3A_335 = arith.constant 0 : i32
      %cond3A_336 = arith.cmpi ne, %convert_element_type3A_334, %cond3A_335 : i32
      scf.if %cond3A_336 {
        %dma_wait3A_378 = arith.constant 0 : i32
        %dma_wait3A_379 = arith.constant 0 : i32
        %dma_wait3A_380 = tpu.memref_slice %arg4[%dma_wait3A_378, %dma_wait3A_379] : memref<819200x128xf32, #tpu.memory_space<hbm>> -> memref<32x128xf32, #tpu.memory_space<hbm>>
        %dma_wait3A_381 = arith.constant 0 : i32
        %dma_wait3A_382 = arith.constant 0 : i32
        %dma_wait3A_383 = tpu.memref_slice %arg4[%dma_wait3A_381, %dma_wait3A_382] : memref<819200x128xf32, #tpu.memory_space<hbm>> -> memref<32x128xf32, #tpu.memory_space<hbm>>
        tpu.wait_dma2 semaphore(%arg31 : memref<!tpu.dma_semaphore, #tpu.memory_space<semaphore_mem>>) src(%arg7 : memref<32x128xf32, #tpu.memory_space<vmem>>) dst(%dma_wait3A_383 : memref<32x128xf32, #tpu.memory_space<hbm>>)
      } else {
      }
      %lt3A_337 = arith.constant 800 : i32
      %lt3A_338 = arith.cmpi slt, %add3A_331, %lt3A_337 : i32
      %convert_element_type3A_339 = arith.extui %lt3A_338 : i1 to i32
      %cond3A_340 = arith.constant 0 : i32
      %cond3A_341 = arith.cmpi ne, %convert_element_type3A_339, %cond3A_340 : i32
      scf.if %cond3A_341 {
        %dma_wait3A_378 = arith.constant 0 : i32
        %dma_wait3A_379 = tpu.memref_slice %arg3[%dma_wait3A_378] : memref<819200xi32, #tpu.memory_space<hbm>> -> memref<32xi32, #tpu.memory_space<hbm>>
        %dma_wait3A_380 = arith.constant 0 : i32
        %dma_wait3A_381 = tpu.memref_slice %arg3[%dma_wait3A_380] : memref<819200xi32, #tpu.memory_space<hbm>> -> memref<32xi32, #tpu.memory_space<hbm>>
        tpu.wait_dma2 semaphore(%arg39 : memref<!tpu.dma_semaphore, #tpu.memory_space<semaphore_mem>>) src(%dma_wait3A_381 : memref<32xi32, #tpu.memory_space<hbm>>) dst(%arg15 : memref<32xi32, #tpu.memory_space<vmem>>)
        %dma_start3A_382 = arith.constant 0 : i32
        %dma_start3A_383 = arith.constant 0 : i32
        %dma_start3A_384 = tpu.memref_slice %arg5[%dma_start3A_382, %dma_start3A_383] : memref<10001x128xf32, #tpu.memory_space<vmem_shared>> -> memref<10001x128xf32, #tpu.memory_space<vmem_shared>>
        tpu.enqueue_indirect_dma source(%dma_start3A_384 : memref<10001x128xf32, #tpu.memory_space<vmem_shared>>) target(%arg7 : memref<32x128xf32, #tpu.memory_space<vmem>>) offsets(%arg15 : memref<32xi32, #tpu.memory_space<vmem>>) semaphore(%arg23 : memref<!tpu.dma_semaphore, #tpu.memory_space<semaphore_mem>>)
      } else {
      }
      %mul3A_342 = arith.constant 8 : i32
      %mul3A_343 = arith.muli %scan3A_91, %mul3A_342 : i32
      %add3A_344 = arith.constant 7 : i32
      %add3A_345 = arith.addi %mul3A_343, %add3A_344 : i32
      %dma_wait3A_346 = arith.constant 0 : i32
      %dma_wait3A_347 = arith.constant 0 : i32
      %dma_wait3A_348 = tpu.memref_slice %arg4[%dma_wait3A_346, %dma_wait3A_347] : memref<819200x128xf32, #tpu.memory_space<hbm>> -> memref<32x128xf32, #tpu.memory_space<hbm>>
      %dma_wait3A_349 = arith.constant 0 : i32
      %dma_wait3A_350 = arith.constant 0 : i32
      %dma_wait3A_351 = tpu.memref_slice %arg4[%dma_wait3A_349, %dma_wait3A_350] : memref<819200x128xf32, #tpu.memory_space<hbm>> -> memref<32x128xf32, #tpu.memory_space<hbm>>
      tpu.wait_dma2 semaphore(%arg29 : memref<!tpu.dma_semaphore, #tpu.memory_space<semaphore_mem>>) src(%dma_wait3A_351 : memref<32x128xf32, #tpu.memory_space<hbm>>) dst(%arg13 : memref<32x128xf32, #tpu.memory_space<vmem>>)
      %mul3A_352 = arith.constant 32 : i32
      %mul3A_353 = arith.muli %add3A_345, %mul3A_352 : i32
      %add3A_354 = arith.addi %mul3A_2, %mul3A_353 : i32
      %dma_start3A_355 = arith.constant 0 : i32
      %dma_start3A_356 = tpu.memref_slice %arg4[%add3A_354, %dma_start3A_355] : memref<819200x128xf32, #tpu.memory_space<hbm>> -> memref<32x128xf32, #tpu.memory_space<hbm>>
      %dma_start3A_357 = arith.constant 0 : i32
      %dma_start3A_358 = tpu.memref_slice %arg4[%add3A_354, %dma_start3A_357] : memref<819200x128xf32, #tpu.memory_space<hbm>> -> memref<32x128xf32, #tpu.memory_space<hbm>>
      tpu.enqueue_dma source(%arg13 : memref<32x128xf32, #tpu.memory_space<vmem>>) target(%dma_start3A_358 : memref<32x128xf32, #tpu.memory_space<hbm>>) target_semaphore(%arg37 : memref<!tpu.dma_semaphore, #tpu.memory_space<semaphore_mem>>)
      %add3A_359 = arith.constant 8 : i32
      %add3A_360 = arith.addi %add3A_345, %add3A_359 : i32
      %lt3A_361 = arith.constant 800 : i32
      %lt3A_362 = arith.cmpi slt, %add3A_360, %lt3A_361 : i32
      %convert_element_type3A_363 = arith.extui %lt3A_362 : i1 to i32
      %cond3A_364 = arith.constant 0 : i32
      %cond3A_365 = arith.cmpi ne, %convert_element_type3A_363, %cond3A_364 : i32
      scf.if %cond3A_365 {
        %add3A_378 = arith.constant 8 : i32
        %add3A_379 = arith.addi %add3A_345, %add3A_378 : i32
        %mul3A_380 = arith.constant 32 : i32
        %mul3A_381 = arith.muli %add3A_379, %mul3A_380 : i32
        %add3A_382 = arith.addi %mul3A_2, %mul3A_381 : i32
        %dma_start3A_383 = tpu.memref_slice %arg3[%add3A_382] : memref<819200xi32, #tpu.memory_space<hbm>> -> memref<32xi32, #tpu.memory_space<hbm>>
        %dma_start3A_384 = tpu.memref_slice %arg3[%add3A_382] : memref<819200xi32, #tpu.memory_space<hbm>> -> memref<32xi32, #tpu.memory_space<hbm>>
        tpu.enqueue_dma source(%dma_start3A_384 : memref<32xi32, #tpu.memory_space<hbm>>) target(%arg21 : memref<32xi32, #tpu.memory_space<vmem>>) target_semaphore(%arg45 : memref<!tpu.dma_semaphore, #tpu.memory_space<semaphore_mem>>)
      } else {
      }
      %add3A_366 = arith.constant 3 : i32
      %add3A_367 = arith.addi %add3A_345, %add3A_366 : i32
      %ge3A_368 = arith.constant 8 : i32
      %ge3A_369 = arith.cmpi sge, %add3A_367, %ge3A_368 : i32
      %convert_element_type3A_370 = arith.extui %ge3A_369 : i1 to i32
      %cond3A_371 = arith.constant 0 : i32
      %cond3A_372 = arith.cmpi ne, %convert_element_type3A_370, %cond3A_371 : i32
      scf.if %cond3A_372 {
        %dma_wait3A_378 = arith.constant 0 : i32
        %dma_wait3A_379 = arith.constant 0 : i32
        %dma_wait3A_380 = tpu.memref_slice %arg4[%dma_wait3A_378, %dma_wait3A_379] : memref<819200x128xf32, #tpu.memory_space<hbm>> -> memref<32x128xf32, #tpu.memory_space<hbm>>
        %dma_wait3A_381 = arith.constant 0 : i32
        %dma_wait3A_382 = arith.constant 0 : i32
        %dma_wait3A_383 = tpu.memref_slice %arg4[%dma_wait3A_381, %dma_wait3A_382] : memref<819200x128xf32, #tpu.memory_space<hbm>> -> memref<32x128xf32, #tpu.memory_space<hbm>>
        tpu.wait_dma2 semaphore(%arg32 : memref<!tpu.dma_semaphore, #tpu.memory_space<semaphore_mem>>) src(%arg8 : memref<32x128xf32, #tpu.memory_space<vmem>>) dst(%dma_wait3A_383 : memref<32x128xf32, #tpu.memory_space<hbm>>)
      } else {
      }
      %lt3A_373 = arith.constant 800 : i32
      %lt3A_374 = arith.cmpi slt, %add3A_367, %lt3A_373 : i32
      %convert_element_type3A_375 = arith.extui %lt3A_374 : i1 to i32
      %cond3A_376 = arith.constant 0 : i32
      %cond3A_377 = arith.cmpi ne, %convert_element_type3A_375, %cond3A_376 : i32
      scf.if %cond3A_377 {
        %dma_wait3A_378 = arith.constant 0 : i32
        %dma_wait3A_379 = tpu.memref_slice %arg3[%dma_wait3A_378] : memref<819200xi32, #tpu.memory_space<hbm>> -> memref<32xi32, #tpu.memory_space<hbm>>
        %dma_wait3A_380 = arith.constant 0 : i32
        %dma_wait3A_381 = tpu.memref_slice %arg3[%dma_wait3A_380] : memref<819200xi32, #tpu.memory_space<hbm>> -> memref<32xi32, #tpu.memory_space<hbm>>
        tpu.wait_dma2 semaphore(%arg40 : memref<!tpu.dma_semaphore, #tpu.memory_space<semaphore_mem>>) src(%dma_wait3A_381 : memref<32xi32, #tpu.memory_space<hbm>>) dst(%arg16 : memref<32xi32, #tpu.memory_space<vmem>>)
        %dma_start3A_382 = arith.constant 0 : i32
        %dma_start3A_383 = arith.constant 0 : i32
        %dma_start3A_384 = tpu.memref_slice %arg5[%dma_start3A_382, %dma_start3A_383] : memref<10001x128xf32, #tpu.memory_space<vmem_shared>> -> memref<10001x128xf32, #tpu.memory_space<vmem_shared>>
        tpu.enqueue_indirect_dma source(%dma_start3A_384 : memref<10001x128xf32, #tpu.memory_space<vmem_shared>>) target(%arg8 : memref<32x128xf32, #tpu.memory_space<vmem>>) offsets(%arg16 : memref<32xi32, #tpu.memory_space<vmem>>) semaphore(%arg24 : memref<!tpu.dma_semaphore, #tpu.memory_space<semaphore_mem>>)
      } else {
      }
    }
    %scan3A_60 = arith.constant 100 : i32
    %dma_wait3A_61 = arith.constant 0 : i32
    %dma_wait3A_62 = arith.constant 0 : i32
    %dma_wait3A_63 = tpu.memref_slice %arg4[%dma_wait3A_61, %dma_wait3A_62] : memref<819200x128xf32, #tpu.memory_space<hbm>> -> memref<32x128xf32, #tpu.memory_space<hbm>>
    %dma_wait3A_64 = arith.constant 0 : i32
    %dma_wait3A_65 = arith.constant 0 : i32
    %dma_wait3A_66 = tpu.memref_slice %arg4[%dma_wait3A_64, %dma_wait3A_65] : memref<819200x128xf32, #tpu.memory_space<hbm>> -> memref<32x128xf32, #tpu.memory_space<hbm>>
    tpu.wait_dma2 semaphore(%arg33 : memref<!tpu.dma_semaphore, #tpu.memory_space<semaphore_mem>>) src(%arg9 : memref<32x128xf32, #tpu.memory_space<vmem>>) dst(%dma_wait3A_66 : memref<32x128xf32, #tpu.memory_space<hbm>>)
    %dma_wait3A_67 = arith.constant 0 : i32
    %dma_wait3A_68 = arith.constant 0 : i32
    %dma_wait3A_69 = tpu.memref_slice %arg4[%dma_wait3A_67, %dma_wait3A_68] : memref<819200x128xf32, #tpu.memory_space<hbm>> -> memref<32x128xf32, #tpu.memory_space<hbm>>
    %dma_wait3A_70 = arith.constant 0 : i32
    %dma_wait3A_71 = arith.constant 0 : i32
    %dma_wait3A_72 = tpu.memref_slice %arg4[%dma_wait3A_70, %dma_wait3A_71] : memref<819200x128xf32, #tpu.memory_space<hbm>> -> memref<32x128xf32, #tpu.memory_space<hbm>>
    tpu.wait_dma2 semaphore(%arg34 : memref<!tpu.dma_semaphore, #tpu.memory_space<semaphore_mem>>) src(%arg10 : memref<32x128xf32, #tpu.memory_space<vmem>>) dst(%dma_wait3A_72 : memref<32x128xf32, #tpu.memory_space<hbm>>)
    %dma_wait3A_73 = arith.constant 0 : i32
    %dma_wait3A_74 = arith.constant 0 : i32
    %dma_wait3A_75 = tpu.memref_slice %arg4[%dma_wait3A_73, %dma_wait3A_74] : memref<819200x128xf32, #tpu.memory_space<hbm>> -> memref<32x128xf32, #tpu.memory_space<hbm>>
    %dma_wait3A_76 = arith.constant 0 : i32
    %dma_wait3A_77 = arith.constant 0 : i32
    %dma_wait3A_78 = tpu.memref_slice %arg4[%dma_wait3A_76, %dma_wait3A_77] : memref<819200x128xf32, #tpu.memory_space<hbm>> -> memref<32x128xf32, #tpu.memory_space<hbm>>
    tpu.wait_dma2 semaphore(%arg35 : memref<!tpu.dma_semaphore, #tpu.memory_space<semaphore_mem>>) src(%arg11 : memref<32x128xf32, #tpu.memory_space<vmem>>) dst(%dma_wait3A_78 : memref<32x128xf32, #tpu.memory_space<hbm>>)
    %dma_wait3A_79 = arith.constant 0 : i32
    %dma_wait3A_80 = arith.constant 0 : i32
    %dma_wait3A_81 = tpu.memref_slice %arg4[%dma_wait3A_79, %dma_wait3A_80] : memref<819200x128xf32, #tpu.memory_space<hbm>> -> memref<32x128xf32, #tpu.memory_space<hbm>>
    %dma_wait3A_82 = arith.constant 0 : i32
    %dma_wait3A_83 = arith.constant 0 : i32
    %dma_wait3A_84 = tpu.memref_slice %arg4[%dma_wait3A_82, %dma_wait3A_83] : memref<819200x128xf32, #tpu.memory_space<hbm>> -> memref<32x128xf32, #tpu.memory_space<hbm>>
    tpu.wait_dma2 semaphore(%arg36 : memref<!tpu.dma_semaphore, #tpu.memory_space<semaphore_mem>>) src(%arg12 : memref<32x128xf32, #tpu.memory_space<vmem>>) dst(%dma_wait3A_84 : memref<32x128xf32, #tpu.memory_space<hbm>>)
    %dma_wait3A_85 = arith.constant 0 : i32
    %dma_wait3A_86 = arith.constant 0 : i32
    %dma_wait3A_87 = tpu.memref_slice %arg4[%dma_wait3A_85, %dma_wait3A_86] : memref<819200x128xf32, #tpu.memory_space<hbm>> -> memref<32x128xf32, #tpu.memory_space<hbm>>
    %dma_wait3A_88 = arith.constant 0 : i32
    %dma_wait3A_89 = arith.constant 0 : i32
    %dma_wait3A_90 = tpu.memref_slice %arg4[%dma_wait3A_88, %dma_wait3A_89] : memref<819200x128xf32, #tpu.memory_space<hbm>> -> memref<32x128xf32, #tpu.memory_space<hbm>>
    tpu.wait_dma2 semaphore(%arg37 : memref<!tpu.dma_semaphore, #tpu.memory_space<semaphore_mem>>) src(%arg13 : memref<32x128xf32, #tpu.memory_space<vmem>>) dst(%dma_wait3A_90 : memref<32x128xf32, #tpu.memory_space<hbm>>)
    return
  }
}

</mosaic_0001>

<sc_bundles>
// kernel: kernel.3.cloned.1.call-start
scs
__scs_entry_jumppad:
0x0: {  	(pc) =	sbr.rel $0x88, $3  }
0x1: {  	(tag) =	ssettag $0x0;
	lr =	simm.s32 $0x1  }
0x2: {  	[smem:$0x3F9F] =	sst lr;
	_ =	strace $0xD0000000  }
0x3: {  	_ = 	snop  }
0x4: {  	_ = 	snop  }
0x5: {  	_ = 	snop  }
0x6: {  	_ = 	snop  }
0x7: {  	_ = 	snop  }
__scs_overlays_trampoline_lowered:
0x8: {  	[smem:$0x3FAE] =	sst s0  }
0x9: {  	[smem:$0x3FAF] =	sst s1  }
0xa: {  	[smem:$0x3FB0] =	sst s2  }
0xb: {  	[smem:$0x3FB1] =	sst s3  }
0xc: {  	[smem:$0x3FB2] =	sst s4  }
0xd: {  	[smem:$0x3FB3] =	sst s5  }
0xe: {  	[smem:$0x3FB4] =	sst s6  }
0xf: {  	[smem:$0x3FB5] =	sst s7  }
0x10: {  	[smem:$0x3FB6] =	sst s8  }
0x11: {  	[smem:$0x3FB7] =	sst s9;
	s0 =	simm.s32 @!p0 $0x0  }
0x12: {  	s1 =	sld [smem:$0x3F9D];
	s0 =	simm.s32 @p0 $0x1  }
0x13: {  	[smem:$0x3FB8] =	sst s0;
	s0 =	simm.s32 @!p1 $0x0  }
0x14: {  	s2 =	sld [smem:$0x3F9C];
	s0 =	simm.s32 @p1 $0x1  }
0x15: {  	[smem:$0x3FB9] =	sst s0;
	s0 =	simm.s32 @!p2 $0x0  }
0x16: {  	s3 =	sld [smem:$0x3FDB];
	s0 =	simm.s32 @p2 $0x1  }
0x17: {  	s4 =	simm.s32 $0x1BF5;
	[smem:$0x3FBB] =	sst s0  }
0x18: {  	s0 =	sld [smem:$0x3F9E];
	_ =	swait.ge [sflag:s4], $0x0  }
0x19: {  	s7 =	sld [smem:$0x3F9F]  }
0x1a: {  	s8 =	sadd.s32 $0xFFFFE003, lr  }
0x1b: {  	s9 =	sadd.s32 $0xFFFFFEF7, lr;
	s5 =	simm.s32 $0xFFFFFFFF;
	p2 =	slt.u32 s8, $0xFFFFF086  }
0x1c: {  	p1 =	slt.u32 s9, $0xF7A;
	s5 =	simm.s32 @!p2 $0x0  }
0x1d: {  	s5 =	simm.s32 @p1 $0x1;
	p0 =	seq.s32 s7, s2  }
0x1e: {  	s7 =	smul.u32 @!p0 $0xF7A, s2;
	p2 =	seq.s32 @!p0 s5, $0x0  }
0x1f: {  	s9 =	smul.u32 $0xF7A, s1;
	s8 =	simm.s32 @!p0 $0x1BF5;
	p2 =	por !p2, p0  }
0x20: {  	[sflag:s8] =	ssyncset.s32 @!p0 $0xFFFFF086;
	s6 =	sadd.s32 @!p0 s3, s7;
	s7 =	simm.s32 @!p0 $0x108  }
0x21: {  	s3 =	sadd.s32 s3, s9;
	s6 =	sadd.s32 @!p0 $0x88, s6;
	s7 =	simm.s32 @p2 $0x1082  }
0x22: {  	[simem:s7], [sflag:s8] =	dma.local @!p0 [hbm:s6], $0xF7A  }
0x23: {  	s9 =	sor.u32 $0xD0000000, s2;
	s6 =	simm.s32 $0x108;
	_ =	swait.ge @!p0 [sflag:s8], $0x0  }
0x24: {  	s3 =	sadd.s32 $0x88, s3;
	s6 =	simm.s32 @!p1 $0x1082;
	[sflag:s4] =	ssyncset.s32 $0xFFFFF086  }
0x25: {  	[simem:s6], [sflag:s4] =	dma.local [hbm:s3], $0xF7A  }
0x26: {  	[smem:$0x3F9F] =	sst s1;
	(tag) =	ssettag s2;
	_ =	strace s9  }
0x27: {  	s1 =	sld [smem:$0x3FAF]  }
0x28: {  	s2 =	sld [smem:$0x3FB0]  }
0x29: {  	s4 =	sld [smem:$0x3FB2]  }
0x2a: {  	p0 =	seq.s32 s5, $0x0;
	s5 =	sld [smem:$0x3FB3]  }
0x2b: {  	s6 =	sld [smem:$0x3FB4]  }
0x2c: {  	s7 =	sld [smem:$0x3FB5]  }
0x2d: {  	s3 =	simm.s32 $0x108;
	s8 =	sld [smem:$0x3FB6]  }
0x2e: {  	s3 =	simm.s32 @!p0 $0x1082;
	s9 =	sld [smem:$0x3FB7]  }
0x2f: {  	lr =	sadd.s32 s0, s3;
	s0 =	sld [smem:$0x3FAE]  }
0x30: {  	s3 =	sld [smem:$0x3FB1]  }
0x31: {  	[smem:$0x3FBA] =	sst s10  }
0x32: {  	s10 =	sld [smem:$0x3FB8];
	_ =	sdelay $0x3  }
0x33: {  	p0 =	seq.s32 s10, $0x1;
	s10 =	sld [smem:$0x3FBA];
	_ =	sdelay $0x3  }
0x34: {  	[smem:$0x3FBA] =	sst s10  }
0x35: {  	s10 =	sld [smem:$0x3FB9];
	_ =	sdelay $0x3  }
0x36: {  	p1 =	seq.s32 s10, $0x1;
	s10 =	sld [smem:$0x3FBA];
	_ =	sdelay $0x3  }
0x37: {  	[smem:$0x3FBA] =	sst s10  }
0x38: {  	s10 =	sld [smem:$0x3FBB]  }
0x39: {  	_ = 	snop;
	(pc) =	sbr.ind lr, $3  }
0x3a: {  	_ = 	snop  }
0x3b: {  	_ = 	snop  }
0x3c: {  	p2 =	seq.s32 s10, $0x1;
	s10 =	sld [smem:$0x3FBA]  }
0x3d: {  	_ =	shalt  }
0x3e: {  	_ =	shalt  }
0x3f: {  	_ =	shalt  }
0x40: {  	_ =	shalt  }
0x41: {  	_ =	shalt  }
0x42: {  	_ =	shalt  }
0x43: {  	_ =	shalt  }
0x44: {  	_ =	shalt  }
0x45: {  	_ =	shalt  }
0x46: {  	_ =	shalt  }
0x47: {  	_ =	shalt  }
0x48: {  	_ =	shalt  }
0x49: {  	_ =	shalt  }
0x4a: {  	_ =	shalt  }
0x4b: {  	_ =	shalt  }
0x4c: {  	_ =	shalt  }
0x4d: {  	_ =	shalt  }
0x4e: {  	_ =	shalt  }
0x4f: {  	_ =	shalt  }
0x50: {  	_ =	shalt  }
0x51: {  	_ =	shalt  }
0x52: {  	_ =	shalt  }
0x53: {  	_ =	shalt  }
0x54: {  	_ =	shalt  }
0x55: {  	_ =	shalt  }
0x56: {  	_ =	shalt  }
0x57: {  	_ =	shalt  }
0x58: {  	_ =	shalt  }
0x59: {  	_ =	shalt  }
0x5a: {  	_ =	shalt  }
0x5b: {  	_ =	shalt  }
0x5c: {  	_ =	shalt  }
0x5d: {  	_ =	shalt  }
0x5e: {  	_ =	shalt  }
0x5f: {  	_ =	shalt  }
0x60: {  	_ =	shalt  }
0x61: {  	_ =	shalt  }
0x62: {  	_ =	shalt  }
0x63: {  	_ =	shalt  }
0x64: {  	_ =	shalt  }
0x65: {  	_ =	shalt  }
0x66: {  	_ =	shalt  }
0x67: {  	_ =	shalt  }
0x68: {  	_ =	shalt  }
0x69: {  	_ =	shalt  }
0x6a: {  	_ =	shalt  }
0x6b: {  	_ =	shalt  }
0x6c: {  	_ =	shalt  }
0x6d: {  	_ =	shalt  }
0x6e: {  	_ =	shalt  }
0x6f: {  	_ =	shalt  }
0x70: {  	_ =	shalt  }
0x71: {  	_ =	shalt  }
0x72: {  	_ =	shalt  }
0x73: {  	_ =	shalt  }
0x74: {  	_ =	shalt  }
0x75: {  	_ =	shalt  }
0x76: {  	_ =	shalt  }
0x77: {  	_ =	shalt  }
0x78: {  	_ =	shalt  }
0x79: {  	_ =	shalt  }
0x7a: {  	_ =	shalt  }
0x7b: {  	_ =	shalt  }
0x7c: {  	_ =	shalt  }
0x7d: {  	_ =	shalt  }
0x7e: {  	_ =	shalt  }
0x7f: {  	_ =	shalt  }
0x80: {  	_ =	shalt  }
0x81: {  	_ =	shalt  }
0x82: {  	_ =	shalt  }
0x83: {  	_ =	shalt  }
0x84: {  	_ =	shalt  }
0x85: {  	_ =	shalt  }
0x86: {  	_ =	shalt  }
0x87: {  	_ =	shalt  }
.Lfunc_end0:
.L_simem_size_0:
called_computation_lowered:
.L_overlay_start_0:
0x88: {  	s2 =	sld [smem:$0x3FD9]  }
0x89: {  	s3 =	sld [smem:$0x3FFE];
	_ =	sdelay $0x1  }
0x8a: {  	s1 =	srdreg.scid  }
0x8b: {  	s0 =	sand.u32 $0x1, s1  }
0x8c: {  	s17 =	sshll.u32 s0, $0xA;
	s2 =	sadd.s32 s3, s2  }
0x8d: {  	s2 =	sadd.s32 s2, s17  }
0x8e: {  	[smem:$0x3FC6] =	sst s2  }
0x8f: {  	_ = 	snop  }
0x90: {  	s2 =	sld [smem:$0x3FC9]  }
0x91: {  	s18 =	sld [smem:$0x3FD0];
	(tm) =	ssettm $0x1  }
0x92: {  	s4 =	sld [smem:$0x3FFB];
	_ =	sdelay $0x3  }
0x93: {  	_ =	strace s4  }
0x94: {  	s4 =	sld [smem:$0x3FFC];
	_ =	sdelay $0x3  }
0x95: {  	_ =	strace s4  }
0x96: {  	s4 =	sld [smem:$0x3FFD];
	_ =	sdelay $0x3  }
0x97: {  	_ =	strace s4  }
0x98: {  	_ =	strace $0x8FFFFFFF  }
0x99: {  	s19 =	sld [smem:$0x3FDB];
	_ =	sdelay $0x1  }
0x9a: {  	s5 =	simm.s32 $_scs_section_size  }
0x9b: {  	s6 =	simm.s32 $_size__tile_overlayer_lowered;
	s7 =	simm.s32 $_tile_overlayer_lowered  }
0x9c: {  	s22 =	simm.s32 $0x1BFF;
	s21 =	sshll.u32 s7, $0x1;
	s4 =	sadd.s32 s5, s19  }
0x9d: {  	s8 =	simm.s32 $0x0;
	s20 =	sshll.u32 s6, $0x1;
	s6 =	sadd.s32 s21, s4  }
0x9e: {  	[timem:s8], [sflag:s22] =	dma.local [hbm:s6], s20  }
0x9f: {  	_ =	swait.ge [sflag:s22], s20  }
0xa0: {  	s5 =	ssub.s32 $0x0, s20;
	[sflag:s22] =	ssyncset.done $0x0  }
0xa1: {  	[sflag:s22] =	ssyncadd.s32 s5;
	_ =	sdelay $0x1  }
0xa2: {  	s23 =	simm.s32 $0x1B8B  }
0xa3: {  	_ =	swait.ge [sflag:s23], $0x1  }
0xa4: {  	[sflag:s23] =	ssyncset.done $0x0  }
0xa5: {  	s25 =	simm.s32 $0x1B8E;
	s24 =	sld [smem:$0x3FFE];
	[sflag:s23] =	ssyncadd.s32 $0xFFFFFFFF  }
0xa6: {  	s26 =	simm.s32 $execute0_lowered;
	[smem:$0x3FD2] =	sst s25  }
0xa7: {  	s6 =	sshll.u32 s26, $0x1;
	_ =	strace $0x80000046;
	[dreg:$0x1] =	wrdreg $0xFFFFFFFF  }
0xa8: {  	s28 =	simm.s32 $_size_execute0_lowered;
	s4 =	sadd.s32 s4, s6;
	[dreg:$0x0] =	wrdreg $0x0  }
0xa9: {  	s6 =	sshll.u32 s28, $0x1;
	[dreg:$0x2] =	wrdreg s4  }
0xaa: {  	[dreg:$0x3] =	wrdreg s6  }
0xab: {  	[dreg:$0x4] =	wrdreg $0xC0  }
0xac: {  	_ =	task [dreg:s8], $0x5FFFF  }
0xad: {  	[dreg:$0x1] =	wrdreg $0xFFFFFFFF  }
0xae: {  	[dreg:$0x0] =	wrdreg $0x60  }
0xaf: {  	[dreg:$0x2] =	wrdreg s2  }
0xb0: {  	[dreg:$0x3] =	wrdreg s24  }
0xb1: {  	[dreg:$0x4] =	wrdreg s18  }
0xb2: {  	[dreg:$0x5] =	wrdreg $0x0  }
0xb3: {  	[dreg:$0x6] =	wrdreg $0x9  }
0xb4: {  	_ =	task.clear_ibuf [dreg:s8], $0x7FFFF;
	_ =	strace $0x90000046  }
0xb5: {  	s29 =	simm.s32 $0x9;
	_ =	strace $0x80000048  }
0xb6: {  	_ =	swait.ge [sflag:s29], $0x1  }
0xb7: {  	[sflag:s29] =	ssyncadd.s32 $0xFFFFFFFF  }
0xb8: {  	_ =	strace $0x90000048  }
0xb9: {  	_ =	sfence  }
0xba: {  	s30 =	sld [smem:$0x0];
	_ =	sdelay $0x2  }
0xbb: {  	s31 =	sshll.u32 s1, $0xD;
	s1 =	sshrl.u32 s1, $0x2  }
0xbc: {  	s3 =	sand.u32 $0x4000, s31;
	s1 =	sadd.s32 s1, s30  }
0xbd: {  	s0 =	sor.u32 s3, s0;
	s1 =	sshll.u32 s1, $0x11  }
0xbe: {  	s0 =	sor.u32 s1, s0  }
0xbf: {  	s0 =	sadd.s32 $0x8F2B, s0  }
0xc0: {  	[sflag:s0] =	ssyncadd.remote.s32 $0x1  }
0xc1: {  	_ =	sfence.sel $0xFFFF  }
0xc2: {  	[dreg:$0x0] =	wrdreg $0xFFFFFFFF;
	(pc) =	sbr.abs _section_cstart, $3  }
0xc3: {  	[dreg:$0x1] =	wrdreg $0xFFFFFFFF  }
0xc4: {  	_ =	task.clear_ibuf [dreg:s8], $0x2FFFF;
	_ =	strace $0x9FFFFFFF  }
0xc5: {  	(tm) =	ssettm $0x7FFFFFFF  }
tec
execute0_lowered:
.L_overlay_start_1:
0x0: {  	(tag) =	ssettag $0x1  }
0x1: {  	s0 =	rddreg [dreg:$0x1]  }
0x2: {  	s1 =	rddreg [dreg:$0x2]  }
0x3: {  	s3 =	srdreg.scid;
	s4 =	stileid.u32  }
0x4: {  	s2 =	rddreg [dreg:$0x3];
	s28 =	simm.s32 $0x13;
	s29 =	simm.s32 $0x15888  }
0x5: {  	s31 =	simm.s32 $0x16888;
	s30 =	simm.s32 $0x18888;
	s7 =	smul.u32 $0x640000, s4  }
0x6: {  	s5 =	sand.u32 $0x1, s3;
	s6 =	sshll.u32 s4, $0x1;
	s24 =	smul.u32 $0xC800, s4  }
0x7: {  	s3 =	simm.s32 $0x0;
	s10 =	sadd.s32 $0x400, s0;
	s9 =	smul.u32 $0x320000, s5  }
0x8: {  	p0 =	sne.s32 s4, $0x0;
	s6 =	sor.u32 s5, s6;
	s25 =	smul.u32 $0x6400, s5  }
0x9: {  	[smem:$0x7FF] =	sst s3;
	s13 =	ssub.s32 $0x2, s5;
	s5 =	smul.u32 $0x64000, s5  }
0xa: {  	s6 =	smul.u32 $0x6400, s6;
	s8 =	sshrl.u32 s13, $0x1;
	_ =	strace $0x80000047  }
0xb: {  	[dreg:$0x5] =	wrdreg s10;
	s0 =	ssub.s32 s13, s8;
	s15 =	sadd.s32 s9, s7  }
0xc: {  	s9 =	sadd.s32 s25, s24;
	s6 =	sshrl.u32 s6, $0x3;
	s17 =	sor.u32 $0x7000, s15  }
0xd: {  	s18 =	sor.u32 $0x6000, s15;
	s0 =	smax.u32 s0, $0x1;
	s22 =	sor.u32 $0x5000, s15  }
0xe: {  	s23 =	sor.u32 $0x4000, s15;
	s12 =	sor.u32 $0x1E0, s9;
	s13 =	sor.u32 $0x1C0, s9  }
0xf: {  	s10 =	sadd.s32 s10, s6;
	s7 =	sshrl.u32 s17, $0x3;
	s8 =	sshrl.u32 s18, $0x3  }
0x10: {  	[dreg:$0xb] =	wrdreg s0;
	s0 =	sshrl.u32 s22, $0x3;
	s17 =	sor.u32 $0x160, s9  }
0x11: {  	s18 =	sor.u32 $0x140, s9;
	s6 =	sadd.s32 $0x4, s10;
	[dreg:$0x6] =	wrdreg s10  }
0x12: {  	s22 =	sor.u32 $0x100, s9;
	s14 =	sadd.s32 $0x8, s10;
	[dreg:$0x7] =	wrdreg s6  }
0x13: {  	s16 =	sadd.s32 $0xC, s10;
	s19 =	sadd.s32 $0x10, s10;
	[dreg:$0x8] =	wrdreg s14  }
0x14: {  	s20 =	sadd.s32 s7, s1;
	s21 =	sadd.s32 s8, s1;
	[dreg:$0x9] =	wrdreg s16  }
0x15: {  	s7 =	sshrl.u32 s23, $0x3;
	s0 =	sadd.s32 s0, s1;
	[dreg:$0xa] =	wrdreg s19  }
0x16: {  	s23 =	sshrl.u32 s22, $0x3;
	s24 =	sadd.s32 $0x14, s10;
	[dreg:$0xc] =	wrdreg s20  }
0x17: {  	s25 =	sadd.s32 $0x18, s10;
	s8 =	simm.s32 $0x16;
	[dreg:$0xd] =	wrdreg s21  }
0x18: {  	s22 =	simm.s32 $0x0;
	[dreg:$0xe] =	wrdreg s0;
	s26 =	sadd.s32 s7, s1  }
0x19: {  	s7 =	sor.u32 $0x3000, s15;
	s6 =	sshrl.u32 s15, $0x3;
	s14 =	smul.u32 $0xC8000, s4  }
0x1a: {  	s15 =	sor.u32 $0x1A0, s9;
	s16 =	sor.u32 $0x180, s9;
	[dreg:$0x1a] =	wrdreg s23  }
0x1b: {  	s19 =	sshrl.u32 s17, $0x3;
	s20 =	sshrl.u32 s18, $0x3;
	[dreg:$0x1b] =	wrdreg s24  }
0x1c: {  	s21 =	sor.u32 $0x120, s9;
	[dreg:$0x1c] =	wrdreg s25;
	s25 =	simm.s32 $0x1BC08  }
0x1d: {  	s9 =	simm.s32 $0x14;
	s17 =	simm.s32 $0x5;
	[dreg:$0xf] =	wrdreg s26  }
0x1e: {  	s18 =	simm.s32 $0x8;
	s0 =	sshrl.u32 s7, $0x3;
	[dreg:$0x17] =	wrdreg s19  }
0x1f: {  	s11 =	sadd.s32 s6, s1;
	[dreg:$0x18] =	wrdreg s20;
	s26 =	sadd.s32 $0x1C, s10  }
0x20: {  	s10 =	simm.s32 $0x20;
	s6 =	simm.s32 $0x17888;
	s7 =	simm.s32 $0x3  }
0x21: {  	s19 =	simm.s32 $0xB;
	s20 =	simm.s32 $0xC;
	[dreg:$0x11] =	wrdreg s11  }
0x22: {  	s0 =	sadd.s32 s0, s1;
	s1 =	sadd.s32 s14, s1;
	[dreg:$0x1d] =	wrdreg s26  }
0x23: {  	s26 =	simm.s32 $0x4;
	s11 =	simm.s32 $0x17;
	s14 =	simm.s32 $0x1A888  }
0x24: {  	[dreg:$0x10] =	wrdreg s0;
	s0 =	sshrl.u32 s12, $0x3;
	s1 =	sadd.s32 s5, s1  }
0x25: {  	s5 =	simm.s32 $0x1;
	s12 =	simm.s32 $0x19888;
	[dreg:$0x12] =	wrdreg s0  }
.Ltmp0:
0x26: {  	s0 =	sshrl.u32 s13, $0x3;
	[dreg:$0x15] =	wrdreg s1;
	(pc) =	sbr.rel .LBB2_1-.Ltmp0, $4  }
0x27: {  	s1 =	simm.s32 $0x2;
	[dreg:$0x13] =	wrdreg s0;
	s0 =	sshrl.u32 s15, $0x3  }
0x28: {  	s13 =	simm.s32 $0x18;
	[dreg:$0x14] =	wrdreg s0;
	s0 =	sshrl.u32 s16, $0x3  }
0x29: {  	s15 =	simm.s32 $0x6;
	[dreg:$0x16] =	wrdreg s0;
	s0 =	sshrl.u32 s21, $0x3  }
0x2a: {  	s16 =	simm.s32 $0x7;
	[dreg:$0x19] =	wrdreg s0;
	s0 =	simm.s32 $0x15  }
.LBB2_7:
0x2b: {  	_ =	swait.ge [sflag:s19], $0x1000  }
0x2c: {  	[sflag:s19] =	ssyncset.done $0x0  }
0x2d: {  	[sflag:s19] =	ssyncadd.s32 $0xFFFFF000  }
0x2e: {  	_ =	swait.ge [sflag:s20], $0x1000  }
0x2f: {  	[sflag:s20] =	ssyncset.done $0x0  }
0x30: {  	s4 =	simm.s32 $0xD;
	[sflag:s20] =	ssyncadd.s32 $0xFFFFF000  }
0x31: {  	_ =	swait.ge [sflag:s4], $0x1000  }
0x32: {  	[sflag:s4] =	ssyncset.done $0x0  }
0x33: {  	s23 =	simm.s32 $0xE;
	[sflag:s4] =	ssyncadd.s32 $0xFFFFF000  }
0x34: {  	_ =	swait.ge [sflag:s23], $0x1000  }
0x35: {  	[sflag:s23] =	ssyncset.done $0x0  }
0x36: {  	s24 =	simm.s32 $0xF;
	[sflag:s23] =	ssyncadd.s32 $0xFFFFF000  }
0x37: {  	_ =	swait.ge [sflag:s24], $0x1000  }
0x38: {  	[sflag:s24] =	ssyncset.done $0x0  }
0x39: {  	s21 =	simm.s32 $0x10;
	[sflag:s24] =	ssyncadd.s32 $0xFFFFF000  }
0x3a: {  	_ =	swait.ge [sflag:s21], $0x1000  }
0x3b: {  	s22 =	rddreg [dreg:$0x1e]  }
0x3c: {  	s25 =	rddreg [dreg:$0xb];
	s22 =	sadd.s32 $0x1, s22  }
0x3d: {  	p1 =	sne.s32 s22, s25  }
.Ltmp1:
0x3e: {  	_ = 	snop;
	(pc) =	sbr.rel @!p1 .LBB2_8-.Ltmp1, $3  }
0x3f: {  	_ =	sdelay $0x1  }
0x40: {  	[sflag:s21] =	ssyncset.done $0x0  }
0x41: {  	s29 =	simm.s32 $0x15888;
	[sflag:s21] =	ssyncadd.s32 $0xFFFFF000;
	s25 =	simm.s32 $0x1BC08  }
.LBB2_1:
0x42: {  	[dreg:$0x1e] =	wrdreg s22  }
0x43: {  	s21 =	sshrl.u32 @!p0 s2, $0x3;
	s22 =	simm.s32 @!p0 $0x1C19;
	s4 =	rddreg [dreg:$0x0]  }
0x44: {  	[spmem:s21], [sflag:s22] =	dma.local @!p0 [hbm:s4], $0x27110  }
0x45: {  	s21 =	simm.s32 @!p0 $0x19  }
0x46: {  	_ =	swait.ge @!p0 [sflag:s21], $0x27110  }
0x47: {  	[sflag:s21] =	ssyncset.done @!p0 $0x0  }
0x48: {  	s22 =	rddreg [dreg:$0x6];
	[sflag:s21] =	ssyncadd.s32 @!p0 $0xFFFD8EF0;
	s21 =	simm.s32 $0x1B888  }
0x49: {  	[tilespmem:s21], [sflag:$0x11] =	stream.linear.gather [hbm4b:s22+s3], $0x20, $0x38;
	[tilespmem:$0x1BC88] =	vst v63  }
0x4a: {  	s23 =	rddreg [dreg:$0x7];
	s22 =	simm.s32 $0x1B908  }
0x4b: {  	[tilespmem:s22], [sflag:$0x12] =	stream.linear.gather [hbm4b:s23+s3], $0x20, $0x38;
	[tilespmem:$0x1BC88] =	vst v63  }
0x4c: {  	s24 =	rddreg [dreg:$0x8];
	s23 =	simm.s32 $0x1B988  }
0x4d: {  	[tilespmem:s23], [sflag:$0x13] =	stream.linear.gather [hbm4b:s24+s3], $0x20, $0x38;
	[tilespmem:$0x1BC88] =	vst v63  }
0x4e: {  	s4 =	rddreg [dreg:$0x9];
	s24 =	simm.s32 $0x1BA08  }
0x4f: {  	[tilespmem:s24], [sflag:$0x14] =	stream.linear.gather [hbm4b:s4+s3], $0x20, $0x38;
	[tilespmem:$0x1BC88] =	vst v63  }
0x50: {  	s4 =	rddreg [dreg:$0xa];
	s24 =	simm.s32 $0x1BA88  }
0x51: {  	[tilespmem:s24], [sflag:$0x15] =	stream.linear.gather [hbm4b:s4+s3], $0x20, $0x38;
	[tilespmem:$0x1BC88] =	vst v63  }
0x52: {  	s4 =	rddreg [dreg:$0x1b];
	s24 =	simm.s32 $0x1BB08  }
0x53: {  	[tilespmem:s24], [sflag:$0x16] =	stream.linear.gather [hbm4b:s4+s3], $0x20, $0x38;
	[tilespmem:$0x1BC88] =	vst v63  }
0x54: {  	s4 =	rddreg [dreg:$0x1c];
	s24 =	simm.s32 $0x1BB88  }
0x55: {  	[tilespmem:s24], [sflag:$0x17] =	stream.linear.gather [hbm4b:s4+s3], $0x20, $0x38;
	[tilespmem:$0x1BC88] =	vst v63  }
0x56: {  	s24 =	rddreg [dreg:$0x1d]  }
0x57: {  	[tilespmem:s25], [sflag:$0x18] =	stream.linear.gather [hbm4b:s24+s3], $0x20, $0x38;
	[tilespmem:$0x1BC88] =	vst v63  }
0x58: {  	s24 =	simm.s32 $0x11;
	[bflag:$0x0] =	sbarrier.arrive $0xFFFF  }
0x59: {  	_ =	swait.ge [sflag:s24], $0x20  }
0x5a: {  	[sflag:s24] =	ssyncset.done $0x0  }
0x5b: {  	s25 =	simm.s32 $0x13888;
	[sflag:s24] =	ssyncadd.s32 $0xFFFFFFE0;
	s24 =	simm.s32 $0x12  }
0x5c: {  	[tilespmem:s25], [sflag:$0x1] =	stream.indirect.gather [spmem:s2], $0x80, s21, s10, $0xb8;
	[tilespmem:$0x1BC88] =	vst v63  }
0x5d: {  	_ =	swait.ge [sflag:s24], $0x20  }
0x5e: {  	[sflag:s24] =	ssyncset.done $0x0  }
0x5f: {  	s25 =	simm.s32 $0x14888;
	[sflag:s24] =	ssyncadd.s32 $0xFFFFFFE0  }
0x60: {  	[tilespmem:s25], [sflag:$0x2] =	stream.indirect.gather [spmem:s2], $0x80, s22, s10, $0xb8;
	[tilespmem:$0x1BC88] =	vst v63  }
0x61: {  	_ =	swait.ge [sflag:s28], $0x20  }
0x62: {  	[sflag:s28] =	ssyncset.done $0x0  }
0x63: {  	s22 =	simm.s32 $0x0;
	s21 =	rddreg [dreg:$0x5];
	[sflag:s28] =	ssyncadd.s32 $0xFFFFFFE0  }
0x64: {  	[tilespmem:s29], [sflag:$0x3] =	stream.indirect.gather [spmem:s2], $0x80, s23, s10, $0xb8;
	[tilespmem:$0x1BC88] =	vst v63  }
.LBB2_2:
0x65: {  	p1 =	seq.s32 s22, $0x63000  }
0x66: {  	p2 =	seq.s32 @!p1 s22, $0x0  }
0x67: {  	_ =	swait.ge [sflag:s5], $0x1000;
	s25 =	simm.s32 $0x13888;
	p2 =	por p1, !p2  }
.Ltmp2:
0x68: {  	[sflag:s5] =	ssyncset.done $0x0;
	s4 =	rddreg [dreg:$0x11];
	(pc) =	sbr.rel @!p2 .LBB2_3-.Ltmp2, $4  }
0x69: {  	[sflag:s5] =	ssyncadd.s32 $0xFFFFF000;
	s23 =	sadd.s32 s22, s4;
	s4 =	rddreg [dreg:$0x1a]  }
0x6a: {  	[hbm4b:s23+s3] =	stream.linear.scatter [tilespmem:s25], [sflag:$0x9], $0x1000, $0x38;
	[tilespmem:$0x1BC88] =	vst v63  }
0x6b: {  	s24 =	sadd.s32 @!p1 s21, s4;
	s23 =	simm.s32 @!p1 $0x0;
	s25 =	simm.s32 @!p1 $0x1B888  }
0x6c: {  	[tilespmem:s25], [sflag:$0x11] =	stream.linear.gather @!p1 [hbm4b:s24+s23], $0x20, $0x38;
	[tilespmem:$0x1BC88] =	vst v63  }
.Ltmp3:
0x6d: {  	(pc) =	sbr.rel .LBB2_5-.Ltmp3, $4  }
0x6e: {  	_ = 	snop  }
0x6f: {  	_ =	swait.ge [sflag:s20], $0x1000  }
0x70: {  	[sflag:s20] =	ssyncset.done $0x0  }
0x71: {  	p2 =	por $0x0, $0x0;
	[sflag:s20] =	ssyncadd.s32 $0xFFFFF000  }
.LBB2_3:
0x72: {  	p2 =	por @!p1 $0x1, $0x1  }
.LBB2_5:
0x73: {  	_ =	swait.ge [sflag:s9], $0x20  }
0x74: {  	[sflag:s9] =	ssyncset.done $0x0  }
0x75: {  	s4 =	simm.s32 $0x1BA08;
	[sflag:s9] =	ssyncadd.s32 $0xFFFFFFE0  }
0x76: {  	[tilespmem:s31], [sflag:$0x4] =	stream.indirect.gather [spmem:s2], $0x80, s4, s10, $0xb8;
	[tilespmem:$0x1BC88] =	vst v63  }
0x77: {  	_ =	swait.ge [sflag:s1], $0x1000  }
0x78: {  	s24 =	rddreg [dreg:$0x15]  }
0x79: {  	[sflag:s1] =	ssyncset.done $0x0;
	s24 =	sadd.s32 s22, s24  }
0x7a: {  	s4 =	simm.s32 $0x14888;
	[sflag:s1] =	ssyncadd.s32 $0xFFFFF000;
	s25 =	sadd.s32 $0x200, s24  }
0x7b: {  	[hbm4b:s25+s3] =	stream.linear.scatter [tilespmem:s4], [sflag:$0xA], $0x1000, $0x38;
	[tilespmem:$0x1BC88] =	vst v63  }
0x7c: {  	s4 =	rddreg [dreg:$0x19]  }
0x7d: {  	s25 =	sadd.s32 @!p1 s21, s4;
	s4 =	simm.s32 @!p1 $0x1B908  }
0x7e: {  	[tilespmem:s4], [sflag:$0x12] =	stream.linear.gather @!p1 [hbm4b:s25+s23], $0x20, $0x38;
	[tilespmem:$0x1BC88] =	vst v63  }
0x7f: {  	s4 =	simm.s32 @!p2 $0xD  }
0x80: {  	_ =	swait.ge @!p2 [sflag:s4], $0x1000  }
0x81: {  	[sflag:s4] =	ssyncset.done @!p2 $0x0  }
0x82: {  	[sflag:s4] =	ssyncadd.s32 @!p2 $0xFFFFF000  }
0x83: {  	_ =	swait.ge [sflag:s0], $0x20  }
0x84: {  	[sflag:s0] =	ssyncset.done $0x0  }
0x85: {  	s25 =	simm.s32 $0x1BA88;
	[sflag:s0] =	ssyncadd.s32 $0xFFFFFFE0  }
0x86: {  	[tilespmem:s6], [sflag:$0x5] =	stream.indirect.gather [spmem:s2], $0x80, s25, s10, $0xb8;
	[tilespmem:$0x1BC88] =	vst v63  }
0x87: {  	_ =	swait.ge [sflag:s7], $0x1000  }
0x88: {  	[sflag:s7] =	ssyncset.done $0x0  }
0x89: {  	s25 =	sadd.s32 $0x400, s24;
	s4 =	rddreg [dreg:$0x18];
	[sflag:s7] =	ssyncadd.s32 $0xFFFFF000  }
0x8a: {  	[hbm4b:s25+s3] =	stream.linear.scatter [tilespmem:s29], [sflag:$0xB], $0x1000, $0x38;
	[tilespmem:$0x1BC88] =	vst v63  }
0x8b: {  	s24 =	simm.s32 @!p1 $0x1B988;
	s4 =	sadd.s32 @!p1 s21, s4  }
0x8c: {  	[tilespmem:s24], [sflag:$0x13] =	stream.linear.gather @!p1 [hbm4b:s4+s23], $0x20, $0x38;
	[tilespmem:$0x1BC88] =	vst v63  }
0x8d: {  	s4 =	simm.s32 @!p2 $0xE  }
0x8e: {  	_ =	swait.ge @!p2 [sflag:s4], $0x1000  }
0x8f: {  	[sflag:s4] =	ssyncset.done @!p2 $0x0  }
0x90: {  	[sflag:s4] =	ssyncadd.s32 @!p2 $0xFFFFF000  }
0x91: {  	_ =	swait.ge [sflag:s8], $0x20  }
0x92: {  	[sflag:s8] =	ssyncset.done $0x0  }
0x93: {  	s24 =	simm.s32 $0x1BB08;
	[sflag:s8] =	ssyncadd.s32 $0xFFFFFFE0  }
0x94: {  	[tilespmem:s30], [sflag:$0x6] =	stream.indirect.gather [spmem:s2], $0x80, s24, s10, $0xb8;
	[tilespmem:$0x1BC88] =	vst v63  }
0x95: {  	_ =	swait.ge [sflag:s26], $0x1000  }
0x96: {  	[sflag:s26] =	ssyncset.done $0x0;
	s25 =	rddreg [dreg:$0x10]  }
0x97: {  	[sflag:s26] =	ssyncadd.s32 $0xFFFFF000;
	s4 =	sadd.s32 s22, s25  }
0x98: {  	[hbm4b:s4+s3] =	stream.linear.scatter [tilespmem:s31], [sflag:$0xC], $0x1000, $0x38;
	[tilespmem:$0x1BC88] =	vst v63  }
0x99: {  	s4 =	rddreg [dreg:$0x17]  }
0x9a: {  	p2 =	por p1, !p2;
	s24 =	simm.s32 @!p1 $0x1BA08;
	s4 =	sadd.s32 @!p1 s21, s4  }
0x9b: {  	[tilespmem:s24], [sflag:$0x14] =	stream.linear.gather @!p1 [hbm4b:s4+s23], $0x20, $0x38;
	[tilespmem:$0x1BC88] =	vst v63  }
0x9c: {  	s4 =	simm.s32 @p2 $0xF  }
0x9d: {  	_ =	swait.ge @p2 [sflag:s4], $0x1000  }
0x9e: {  	[sflag:s4] =	ssyncset.done @p2 $0x0  }
0x9f: {  	[sflag:s4] =	ssyncadd.s32 @p2 $0xFFFFF000  }
0xa0: {  	_ =	swait.ge [sflag:s11], $0x20  }
0xa1: {  	[sflag:s11] =	ssyncset.done $0x0  }
0xa2: {  	s23 =	simm.s32 $0x1BB88;
	[sflag:s11] =	ssyncadd.s32 $0xFFFFFFE0  }
0xa3: {  	[tilespmem:s12], [sflag:$0x7] =	stream.indirect.gather [spmem:s2], $0x80, s23, s10, $0xb8;
	[tilespmem:$0x1BC88] =	vst v63  }
0xa4: {  	_ =	swait.ge [sflag:s17], $0x1000  }
0xa5: {  	[sflag:s17] =	ssyncset.done $0x0;
	s24 =	rddreg [dreg:$0xf]  }
0xa6: {  	[sflag:s17] =	ssyncadd.s32 $0xFFFFF000;
	s4 =	sadd.s32 s22, s24  }
0xa7: {  	[hbm4b:s4+s3] =	stream.linear.scatter [tilespmem:s6], [sflag:$0xD], $0x1000, $0x38;
	[tilespmem:$0x1BC88] =	vst v63  }
0xa8: {  	s4 =	rddreg [dreg:$0x16]  }
0xa9: {  	s23 =	simm.s32 @!p1 $0x0;
	s24 =	simm.s32 @!p1 $0x1BA88;
	s4 =	sadd.s32 @!p1 s21, s4  }
0xaa: {  	[tilespmem:s24], [sflag:$0x15] =	stream.linear.gather @!p1 [hbm4b:s4+s23], $0x20, $0x38;
	[tilespmem:$0x1BC88] =	vst v63  }
0xab: {  	s23 =	simm.s32 @p2 $0x10  }
0xac: {  	_ =	swait.ge @p2 [sflag:s23], $0x1000  }
0xad: {  	[sflag:s23] =	ssyncset.done @p2 $0x0  }
0xae: {  	[sflag:s23] =	ssyncadd.s32 @p2 $0xFFFFF000  }
0xaf: {  	_ =	swait.ge [sflag:s13], $0x20  }
0xb0: {  	[sflag:s13] =	ssyncset.done $0x0  }
0xb1: {  	s25 =	simm.s32 $0x1BC08;
	[sflag:s13] =	ssyncadd.s32 $0xFFFFFFE0  }
0xb2: {  	[tilespmem:s14], [sflag:$0x8] =	stream.indirect.gather [spmem:s2], $0x80, s25, s10, $0xb8;
	[tilespmem:$0x1BC88] =	vst v63  }
0xb3: {  	_ =	swait.ge [sflag:s15], $0x1000  }
0xb4: {  	[sflag:s15] =	ssyncset.done $0x0;
	s24 =	rddreg [dreg:$0xe]  }
0xb5: {  	[sflag:s15] =	ssyncadd.s32 $0xFFFFF000;
	s4 =	sadd.s32 s22, s24  }
0xb6: {  	[hbm4b:s4+s3] =	stream.linear.scatter [tilespmem:s30], [sflag:$0xE], $0x1000, $0x38;
	[tilespmem:$0x1BC88] =	vst v63  }
0xb7: {  	p2 =	sne.s32 s22, $0x63000;
	s4 =	rddreg [dreg:$0x14]  }
0xb8: {  	s23 =	simm.s32 @p2 $0x0;
	s24 =	simm.s32 @p2 $0x1BB08;
	s4 =	sadd.s32 @p2 s21, s4  }
0xb9: {  	[tilespmem:s24], [sflag:$0x16] =	stream.linear.gather @p2 [hbm4b:s4+s23], $0x20, $0x38;
	[tilespmem:$0x1BC88] =	vst v63  }
0xba: {  	s4 =	simm.s32 @p2 $0x9  }
0xbb: {  	_ =	swait.ge @p2 [sflag:s4], $0x1000  }
0xbc: {  	[sflag:s4] =	ssyncset.done @p2 $0x0  }
0xbd: {  	[sflag:s4] =	ssyncadd.s32 @p2 $0xFFFFF000;
	s4 =	simm.s32 @p2 $0x11  }
0xbe: {  	_ =	swait.ge @p2 [sflag:s4], $0x20  }
0xbf: {  	s25 =	simm.s32 @p2 $0x13888;
	[sflag:s4] =	ssyncset.done @p2 $0x0  }
0xc0: {  	s24 =	simm.s32 @p2 $0x1B888;
	[sflag:s4] =	ssyncadd.s32 @p2 $0xFFFFFFE0;
	s4 =	simm.s32 @p2 $0x20  }
0xc1: {  	[tilespmem:s25], [sflag:$0x1] =	stream.indirect.gather @p2 [spmem:s2], $0x80, s24, s4, $0xb8;
	[tilespmem:$0x1BC88] =	vst v63  }
0xc2: {  	s24 =	simm.s32 @!p2 $0x9  }
0xc3: {  	_ =	swait.ge @!p2 [sflag:s24], $0x1000  }
0xc4: {  	[sflag:s24] =	ssyncset.done @!p2 $0x0  }
0xc5: {  	[sflag:s24] =	ssyncadd.s32 @!p2 $0xFFFFF000  }
0xc6: {  	_ =	swait.ge [sflag:s16], $0x1000  }
0xc7: {  	[sflag:s16] =	ssyncset.done $0x0;
	s25 =	rddreg [dreg:$0xd]  }
0xc8: {  	[sflag:s16] =	ssyncadd.s32 $0xFFFFF000;
	s24 =	sadd.s32 s22, s25  }
0xc9: {  	[hbm4b:s24+s3] =	stream.linear.scatter [tilespmem:s12], [sflag:$0xF], $0x1000, $0x38;
	[tilespmem:$0x1BC88] =	vst v63  }
0xca: {  	s24 =	rddreg [dreg:$0x13]  }
0xcb: {  	s25 =	simm.s32 @p2 $0x1BB88;
	s24 =	sadd.s32 @p2 s21, s24  }
0xcc: {  	[tilespmem:s25], [sflag:$0x17] =	stream.linear.gather @p2 [hbm4b:s24+s23], $0x20, $0x38;
	[tilespmem:$0x1BC88] =	vst v63  }
0xcd: {  	s23 =	simm.s32 @p2 $0xA  }
0xce: {  	_ =	swait.ge @p2 [sflag:s23], $0x1000  }
0xcf: {  	[sflag:s23] =	ssyncset.done @p2 $0x0  }
0xd0: {  	[sflag:s23] =	ssyncadd.s32 @p2 $0xFFFFF000;
	s23 =	simm.s32 @p2 $0x12  }
0xd1: {  	_ =	swait.ge @p2 [sflag:s23], $0x20  }
0xd2: {  	[sflag:s23] =	ssyncset.done @p2 $0x0  }
0xd3: {  	s24 =	simm.s32 @p2 $0x14888;
	[sflag:s23] =	ssyncadd.s32 @p2 $0xFFFFFFE0;
	s23 =	simm.s32 @p2 $0x1B908  }
0xd4: {  	[tilespmem:s24], [sflag:$0x2] =	stream.indirect.gather @p2 [spmem:s2], $0x80, s23, s4, $0xb8;
	[tilespmem:$0x1BC88] =	vst v63  }
0xd5: {  	s4 =	simm.s32 @!p2 $0xA  }
0xd6: {  	_ =	swait.ge @!p2 [sflag:s4], $0x1000  }
0xd7: {  	[sflag:s4] =	ssyncset.done @!p2 $0x0  }
.Ltmp4:
0xd8: {  	[sflag:s4] =	ssyncadd.s32 @!p2 $0xFFFFF000;
	(pc) =	sbr.rel @p1 .LBB2_7-.Ltmp4, $4  }
0xd9: {  	_ =	swait.ge [sflag:s18], $0x1000  }
0xda: {  	[sflag:s18] =	ssyncset.done $0x0;
	s25 =	rddreg [dreg:$0xc]  }
0xdb: {  	s29 =	simm.s32 $0x1BC08;
	[sflag:s18] =	ssyncadd.s32 $0xFFFFF000;
	s4 =	sadd.s32 s22, s25  }
0xdc: {  	[hbm4b:s4+s3] =	stream.linear.scatter [tilespmem:s14], [sflag:$0x10], $0x1000, $0x38;
	[tilespmem:$0x1BC88] =	vst v63  }
0xdd: {  	s4 =	rddreg [dreg:$0x12]  }
0xde: {  	s4 =	sadd.s32 s21, s4  }
0xdf: {  	[tilespmem:s29], [sflag:$0x18] =	stream.linear.gather [hbm4b:s4+s3], $0x20, $0x38;
	[tilespmem:$0x1BC88] =	vst v63  }
0xe0: {  	_ =	swait.ge [sflag:s19], $0x1000  }
0xe1: {  	[sflag:s19] =	ssyncset.done $0x0  }
.Ltmp5:
0xe2: {  	[sflag:s19] =	ssyncadd.s32 $0xFFFFF000;
	(pc) =	sbr.rel .LBB2_2-.Ltmp5, $4  }
0xe3: {  	_ =	swait.ge [sflag:s28], $0x20  }
0xe4: {  	s25 =	simm.s32 $0x1B988;
	s22 =	sadd.s32 $0x1000, s22;
	[sflag:s28] =	ssyncset.done $0x0  }
0xe5: {  	s21 =	sadd.s32 $0x20, s21;
	s29 =	simm.s32 $0x15888;
	[sflag:s28] =	ssyncadd.s32 $0xFFFFFFE0  }
0xe6: {  	[tilespmem:s29], [sflag:$0x3] =	stream.indirect.gather [spmem:s2], $0x80, s25, s10, $0xb8;
	[tilespmem:$0x1BC88] =	vst v63  }
.LBB2_8:
0xe7: {  	_ =	sfence.sel $0x180000  }
0xe8: {  	[bflag:$0x0] =	sbarrier.arrive $0xFFFF  }
0xe9: {  	_ =	strace $0x90000047  }
0xea: {  	[bflag:$0x2] =	sbarrier.arrive $0xFFFF  }
0xeb: {  	s0 =	rddreg [dreg:$0x4]  }
0xec: {  	s0 =	sadd.s32 @!p0 $0x100000, s0  }
0xed: {  	[sflag:s0] =	ssyncadd.tile.s32 @!p0 $0x1;
	_ =	shalt  }
.Lfunc_end2:
_tile_overlayer_lowered:
.L_overlay_start_2:
0xee: {  	(tag) =	ssettag $0x2  }
0xef: {  	s0 =	rddreg [dreg:$0x0];
	s2 =	stileid.u32  }
0xf0: {  	s1 =	rddreg [dreg:$0x1];
	p0 =	sne.s32 s2, $0x0  }
0xf1: {  	s3 =	rddreg [dreg:$0x2];
	[bflag:$0x3] =	sbarrier.arrive $0xFFFF;
	s2 =	simm.s32 @!p0 $0x1C19  }
0xf2: {  	[timem:s3], [sflag:s2] =	dma.local @!p0 [hbm:s0], s1  }
0xf3: {  	s0 =	simm.s32 @!p0 $0x19  }
0xf4: {  	_ =	swait.ge @!p0 [sflag:s0], s1  }
0xf5: {  	s1 =	ssub.s32 @!p0 $0x0, s1;
	[sflag:s0] =	ssyncset.done @!p0 $0x0  }
0xf6: {  	[sflag:s0] =	ssyncadd.s32 @!p0 s1  }
0xf7: {  	[bflag:$0x3] =	sbarrier.arrive $0xFFFF  }
0xf8: {  	_ =	shalt  }

</sc_bundles>
